<compile_context>
chip_gen: v7x
topology: tpu7x:2x2x1
jax: 0.10.2.dev20260603
libtpu: 0.0.44.dev20260713+nightly
codegen_flags: <defaults>
</compile_context>

<pallas_src>
import functools
import math

import jax
import jax.numpy as jnp
from jax import lax
from jax.experimental import pallas as pl
from jax.experimental.pallas import tpu as pltpu
from jax.experimental.pallas import tpu_sc as plsc

N = 8192
K = math.ceil(0.5 * N)
D = 256

_SC_NC = 2
_SC_NS = 16
_SC_NW = _SC_NC * _SC_NS


def _attn_mean_body(a_ref, out_ref):
    acc = a_ref[0]
    for i in range(1, 16):
        acc = acc + a_ref[i]
    v = acc[0:8]
    for g in range(1, 8):
        v = v + acc[8 * g : 8 * g + 8]
    t = v[0:4] + v[4:8]
    t = t[0:2] + t[2:4]
    t = t[0:1] + t[1:2]
    out_ref[...] = t * (1.0 / 1024.0)


def _attn_mean(A):
    LC = 1024
    return pl.pallas_call(
        _attn_mean_body,
        grid=(N // LC,),
        in_specs=[pl.BlockSpec((16, 64, LC), lambda l: (0, 0, l))],
        out_specs=pl.BlockSpec((1, LC), lambda l: (0, l)),
        out_shape=jax.ShapeDtypeStruct((1, N), jnp.float32),
    )(A)


def _sort_body(cls_ref, keys_ref, idx_ref):
    rowi = lax.broadcasted_iota(jnp.int32, (64, 128), 0)
    lanei = lax.broadcasted_iota(jnp.int32, (64, 128), 1)
    f = rowi * 128 + lanei

    def exchange(keys, idxs, pk, pi, low, kbit):
        asc = (f & kbit) == 0
        mine_first = (keys > pk) | ((keys == pk) & (idxs < pi))
        sel = (low == asc) == mine_first
        return jnp.where(sel, keys, pk), jnp.where(sel, idxs, pi)

    def phase(kk, carry):
        kbit = lax.shift_left(1, kk)

        def rstage(t, c):
            keys, idxs = c
            r = lax.shift_left(1, kk - 1 - t - 7)
            low = (rowi & r) == 0
            pk = jnp.where(low, pltpu.roll(keys, -r, 0), pltpu.roll(keys, r, 0))
            pi = jnp.where(low, pltpu.roll(idxs, -r, 0), pltpu.roll(idxs, r, 0))
            return exchange(keys, idxs, pk, pi, low, kbit)

        def lstage(t, c):
            keys, idxs = c
            s = lax.shift_left(1, jnp.minimum(kk - 1, 6) - t)
            low = (lanei & s) == 0
            pk = jnp.where(low, pltpu.roll(keys, -s, 1), pltpu.roll(keys, s, 1))
            pi = jnp.where(low, pltpu.roll(idxs, -s, 1), pltpu.roll(idxs, s, 1))
            return exchange(keys, idxs, pk, pi, low, kbit)

        carry = lax.fori_loop(0, jnp.maximum(kk - 7, 0), rstage, carry)
        carry = lax.fori_loop(0, jnp.minimum(kk, 7), lstage, carry)
        return carry

    keys, idxs = lax.fori_loop(1, 14, phase, (cls_ref[...], f))
    keys_ref[...] = keys
    idx_ref[...] = idxs


def _bitonic_sort(cls64):
    return pl.pallas_call(
        _sort_body,
        out_shape=[
            jax.ShapeDtypeStruct((64, 128), jnp.float32),
            jax.ShapeDtypeStruct((64, 128), jnp.int32),
        ],
    )(cls64)


_HB = 1024


def _inatten_body(w_ref, h_ref, out_ref):
    p = pl.program_id(0)
    part = jnp.sum(h_ref[...] * w_ref[...], axis=0, keepdims=True)

    @pl.when(p == 0)
    def _():
        out_ref[...] = jnp.zeros_like(out_ref)

    out_ref[...] += part


def _inatten(w_col, h2):
    return pl.pallas_call(
        _inatten_body,
        grid=(N // _HB,),
        in_specs=[
            pl.BlockSpec((_HB, 1), lambda i: (i, 0)),
            pl.BlockSpec((_HB, D), lambda i: (i, 0)),
        ],
        out_specs=pl.BlockSpec((1, D), lambda i: (0, 0)),
        out_shape=jax.ShapeDtypeStruct((1, D), jnp.float32),
    )(w_col, h2)


def _make_sc_gather(B, d):
    b_per_w = B // _SC_NW
    mesh = plsc.VectorSubcoreMesh(
        core_axis_name="c", subcore_axis_name="s",
        num_cores=_SC_NC, num_subcores=_SC_NS,
    )

    @functools.partial(
        pl.kernel,
        out_type=jax.ShapeDtypeStruct((B, d), jnp.float32),
        mesh=mesh,
        scratch_types=[
            pltpu.VMEM((b_per_w,), jnp.int32),
            pltpu.VMEM((b_per_w, d), jnp.float32),
            pltpu.SemaphoreType.DMA,
        ],
    )
    def gather(table_hbm, idx_hbm, out_hbm, idx_v, rows_v, sem):
        wid = lax.axis_index("s") * _SC_NC + lax.axis_index("c")
        base = wid * b_per_w
        pltpu.sync_copy(idx_hbm.at[pl.ds(base, b_per_w)], idx_v)
        pltpu.async_copy(table_hbm.at[idx_v], rows_v, sem).wait()
        pltpu.sync_copy(rows_v, out_hbm.at[pl.ds(base, b_per_w)])

    return gather


_NB = 512


def _normalize_body(x_ref, w_ref, out_ref, tk_ref):
    p = pl.program_id(0)
    x = x_ref[...]
    ss = jnp.sum(x * x, axis=1, keepdims=True)
    out_ref[...] = (x / jnp.sqrt(ss)).astype(jnp.bfloat16)

    @pl.when(p == 0)
    def _():
        tk_ref[...] = jnp.zeros_like(tk_ref)

    tk_ref[...] += jnp.sum(x * w_ref[...], axis=0, keepdims=True)


def _normalize(x, w_col):
    return pl.pallas_call(
        _normalize_body,
        grid=(K // _NB,),
        in_specs=[
            pl.BlockSpec((_NB, D), lambda i: (i, 0)),
            pl.BlockSpec((_NB, 1), lambda i: (i, 0)),
        ],
        out_specs=[
            pl.BlockSpec((_NB, D), lambda i: (i, 0)),
            pl.BlockSpec((1, D), lambda i: (0, 0)),
        ],
        out_shape=[
            jax.ShapeDtypeStruct((K, D), jnp.bfloat16),
            jax.ShapeDtypeStruct((1, D), jnp.float32),
        ],
    )(x, w_col)


_MB = 512
_MJ = 512


def _argmax_body(nv_i_ref, nv_ref, out_ref):
    ib = pl.program_id(0)
    vi = nv_i_ref[...]
    iota0 = lax.broadcasted_iota(jnp.int32, (_MB, _MJ), 0).astype(jnp.float32)
    iota1 = lax.broadcasted_iota(jnp.int32, (_MB, _MJ), 1).astype(jnp.float32)
    ig = ib * _MB + iota0

    def make_step(mask_diag):
        def step(j, carry):
            rmax, rarg = carry
            vj = nv_ref[pl.ds(j * _MJ, _MJ), :]
            g = lax.dot_general(
                vi, vj, (((1,), (1,)), ((), ())),
                preferred_element_type=jnp.float32,
            )
            jg = jnp.float32(j * _MJ) + iota1
            if mask_diag:
                g = jnp.where(ig == jg, 0.0, g)
            rowmax = jnp.max(g, axis=1, keepdims=True)
            cand = jnp.min(
                jnp.where(g == rowmax, jg, jnp.inf), axis=1, keepdims=True
            )
            upd = rowmax > rmax
            return jnp.where(upd, rowmax, rmax), jnp.where(upd, cand, rarg)

        return step

    rmax0 = jnp.full((_MB, 1), -jnp.inf, jnp.float32)
    rarg0 = jnp.zeros((_MB, 1), jnp.float32)
    carry = lax.fori_loop(0, ib, make_step(False), (rmax0, rarg0))
    carry = make_step(True)(ib, carry)
    _, rarg = lax.fori_loop(ib + 1, K // _MJ, make_step(False), carry)
    out_ref[...] = rarg.astype(jnp.int32)


def _cos_argmax(nvb):
    return pl.pallas_call(
        _argmax_body,
        grid=(K // _MB,),
        in_specs=[
            pl.BlockSpec((_MB, D), lambda i: (i, 0)),
            pl.BlockSpec((K, D), lambda i: (0, 0)),
        ],
        out_specs=pl.BlockSpec((_MB, 1), lambda i: (i, 0)),
        out_shape=jax.ShapeDtypeStruct((K, 1), jnp.int32),
    )(nvb, nvb)


_AB = 512
_NAB = K // _AB


def _assemble_body(
    xa_prev_ref, xa_cur_ref, nxa_prev_ref, nav_prev_ref, nxa_cur_ref,
    nav_cur_ref, tot_ref, tk_ref, out_ref
):
    b = pl.program_id(0)

    @pl.when(b == 0)
    def _():
        xin = tot_ref[...] - tk_ref[...]
        out_ref[...] = jnp.concatenate(
            [xin, xa_cur_ref[0 : _AB - 1]], axis=0
        )

    @pl.when((b >= 1) & (b <= _NAB - 1))
    def _():
        out_ref[...] = jnp.concatenate(
            [xa_prev_ref[_AB - 1 : _AB], xa_cur_ref[0 : _AB - 1]], axis=0
        )

    @pl.when(b == _NAB)
    def _():
        tail = 0.5 * nxa_cur_ref[0 : _AB - 1] + 0.5 * nav_cur_ref[0 : _AB - 1]
        out_ref[...] = jnp.concatenate(
            [xa_prev_ref[_AB - 1 : _AB], tail], axis=0
        )

    @pl.when(b >= _NAB + 1)
    def _():
        head = (
            0.5 * nxa_prev_ref[_AB - 1 : _AB]
            + 0.5 * nav_prev_ref[_AB - 1 : _AB]
        )
        tail = 0.5 * nxa_cur_ref[0 : _AB - 1] + 0.5 * nav_cur_ref[0 : _AB - 1]
        out_ref[...] = jnp.concatenate([head, tail], axis=0)


def _assemble(x_atten, add_vectors, total, tksum):
    def clip(i, lo, hi):
        return jnp.minimum(jnp.maximum(i, lo), hi)

    return pl.pallas_call(
        _assemble_body,
        grid=(2 * K // _AB + 1,),
        in_specs=[
            pl.BlockSpec((_AB, D), lambda b: (clip(b - 1, 0, _NAB - 1), 0)),
            pl.BlockSpec((_AB, D), lambda b: (clip(b, 0, _NAB - 1), 0)),
            pl.BlockSpec((_AB, D), lambda b: (clip(b - _NAB - 1, 0, _NAB - 1), 0)),
            pl.BlockSpec((_AB, D), lambda b: (clip(b - _NAB - 1, 0, _NAB - 1), 0)),
            pl.BlockSpec((_AB, D), lambda b: (clip(b - _NAB, 0, _NAB - 1), 0)),
            pl.BlockSpec((_AB, D), lambda b: (clip(b - _NAB, 0, _NAB - 1), 0)),
            pl.BlockSpec((1, D), lambda b: (0, 0)),
            pl.BlockSpec((1, D), lambda b: (0, 0)),
        ],
        out_specs=pl.BlockSpec((_AB, D), lambda b: (b, 0)),
        out_shape=jax.ShapeDtypeStruct((1 + 2 * K, D), jnp.float32),
    )(x_atten, x_atten, x_atten, add_vectors, x_atten, add_vectors,
      total, tksum)


def kernel(h_path, A):
    h2 = h_path[0]
    cls_row = _attn_mean(A)
    cls_col = cls_row.reshape(N, 1)
    vals_s, idx_s = _bitonic_sort(cls_row.reshape(64, 128))
    idx = idx_s.reshape(N)[:K]
    w_col = vals_s.reshape(N, 1)[:K]
    total = _inatten(cls_col, h2)
    x_atten = _make_sc_gather(K, D)(h2, idx)
    nvb, tksum = _normalize(x_atten, w_col)
    max_list = _cos_argmax(nvb).reshape(K)
    add_vectors = _make_sc_gather(K, D)(x_atten, max_list)
    return _assemble(x_atten, add_vectors, total, tksum)[None]

# --- scband reference (transcript-rebuilt; emitter-appended) ---
"""Pipeline reference for scband-mcfn-44581760532716 (READ-ONLY COPY).

The authoritative reference and input builder live on the scoring server;
editing this copy changes nothing except your own understanding.
"""

import jax, jax.numpy as jnp
import numpy as np
import math

KEEP_RATE = 0.5

def setup_inputs(seed: int = 0) -> dict:
    key = jax.random.key(seed)
    k1, k2 = jax.random.split(key)
    h_path = jax.random.normal(k1, (1, 8192, 256), dtype=jnp.float32)
    A = jax.random.uniform(k2, (16, 64, 8192), dtype=jnp.float32)
    return {"h_path": h_path, "A": A}

def reference(h_path, A):
    # cls_attn = A.mean(0).mean(0).unsqueeze(0)
    cls_attn = A.mean(axis=0).mean(axis=0)[None, :]  # [1, N]
    N = cls_attn.shape[1]
    k = math.ceil(KEEP_RATE * N)
    d = h_path.shape[-1]
    # top-k attentive instances
    _, idx = jax.lax.top_k(cls_attn, k)  # [1, k]
    # complement_idx: scatter 0 at topk positions in arange, sort, drop first k
    a = jnp.arange(N)
    masked = a.at[idx[0]].set(0)[None, :]
    compl = jnp.sort(masked, axis=-1)[:, k:]  # [1, N-k]
    # non-topk: attention-weighted pooled token
    compl_e = jnp.broadcast_to(compl[:, :, None], (1, N - k, d))
    x_inatten = jnp.take_along_axis(h_path, compl_e, axis=1)
    non_topk_attn = jnp.take_along_axis(cls_attn, compl, axis=1)
    x_inatten = jnp.sum(x_inatten * non_topk_attn[:, :, None], axis=1, keepdims=True)  # [1,1,d]
    # topk tokens
    idx_e = jnp.broadcast_to(idx[:, :, None], (1, k, d))
    x_atten = jnp.take_along_axis(h_path, idx_e, axis=1)  # [1,k,d]
    vectors = x_atten[0]  # [k,d]
    norms = jnp.linalg.norm(vectors, axis=1, keepdims=True)
    normalized_vectors = vectors / norms
    cosine_similarity_matrix = normalized_vectors @ normalized_vectors.T  # [k,k]
    diag = jnp.arange(k)
    cosine_similarity_matrix = cosine_similarity_matrix.at[diag, diag].set(0.0)
    max_list = jnp.argmax(cosine_similarity_matrix, axis=1)
    add_vectors = vectors[max_list, :]
    new_vectors = 0.5 * vectors + 0.5 * add_vectors
    x_new = new_vectors[None]  # [1,k,d]
    x_path = jnp.concatenate([x_inatten, x_atten, x_new], axis=1)  # [1, 1+2k, d]
    return x_path

if __name__ == "__main__":
    import jax
    _d = setup_inputs()
    print(jax.jit(kernel)(*tuple(_d.values())))

</pallas_src>

<mosaic_0001>
#map = affine_map<(d0, d1) -> (0, 0)>
#map1 = affine_map<(d0, d1) -> (0)>
module attributes {stable_mosaic.version = 14 : i64} {
  func.func @gather(%arg0: i32, %arg1: i32, %arg2: memref<8192x256xf32, #tpu.memory_space<hbm>>, %arg3: memref<4096xi32, #tpu.memory_space<hbm>>, %arg4: memref<4096x256xf32, #tpu.memory_space<hbm>>, %arg5: memref<128xi32, #tpu.memory_space<vmem>>, %arg6: memref<128x256xf32, #tpu.memory_space<vmem>>, %arg7: memref<!tpu.dma_semaphore, #tpu.memory_space<semaphore_mem>>) attributes {dimension_semantics = [#tpu.dimension_semantics<core_parallel>, #tpu.dimension_semantics<subcore_parallel>], iteration_bounds = array<i64: 2, 16>, scalar_prefetch = 0 : i64, scratch_operands = 3 : i64, tpu.core_type = #tpu.core_type<sc_vector_subcore>, window_params = [{transform_indices = #map}, {transform_indices = #map1}, {transform_indices = #map}]} {
    %mul3A = arith.constant 2 : i32
    %mul3A_0 = arith.muli %arg1, %mul3A : i32
    %add3A = arith.addi %mul3A_0, %arg0 : i32
    %mul3A_1 = arith.constant 128 : i32
    %mul3A_2 = arith.muli %add3A, %mul3A_1 : i32
    "tpu.region"() ({
      %run_scoped3A = tpu.sem_alloc : memref<!tpu.dma_semaphore, #tpu.memory_space<semaphore_mem>>
      %dma_start3A_7 = tpu.memref_slice %arg3[%mul3A_2] : memref<4096xi32, #tpu.memory_space<hbm>> -> memref<128xi32, #tpu.memory_space<hbm>>
      %dma_start3A_8 = tpu.memref_slice %arg3[%mul3A_2] : memref<4096xi32, #tpu.memory_space<hbm>> -> memref<128xi32, #tpu.memory_space<hbm>>
      tpu.enqueue_dma source(%dma_start3A_8 : memref<128xi32, #tpu.memory_space<hbm>>) target(%arg5 : memref<128xi32, #tpu.memory_space<vmem>>) target_semaphore(%run_scoped3A : memref<!tpu.dma_semaphore, #tpu.memory_space<semaphore_mem>>)
      %dma_wait3A_9 = tpu.memref_slice %arg3[%mul3A_2] : memref<4096xi32, #tpu.memory_space<hbm>> -> memref<128xi32, #tpu.memory_space<hbm>>
      %dma_wait3A_10 = tpu.memref_slice %arg3[%mul3A_2] : memref<4096xi32, #tpu.memory_space<hbm>> -> memref<128xi32, #tpu.memory_space<hbm>>
      tpu.wait_dma2 semaphore(%run_scoped3A : memref<!tpu.dma_semaphore, #tpu.memory_space<semaphore_mem>>) src(%dma_wait3A_10 : memref<128xi32, #tpu.memory_space<hbm>>) dst(%arg5 : memref<128xi32, #tpu.memory_space<vmem>>)
      tpu.yield
    }) : () -> ()
    %dma_start3A = arith.constant 0 : i32
    %dma_start3A_3 = arith.constant 0 : i32
    %dma_start3A_4 = tpu.memref_slice %arg2[%dma_start3A, %dma_start3A_3] : memref<8192x256xf32, #tpu.memory_space<hbm>> -> memref<8192x256xf32, #tpu.memory_space<hbm>>
    tpu.enqueue_indirect_dma source(%dma_start3A_4 : memref<8192x256xf32, #tpu.memory_space<hbm>>) target(%arg6 : memref<128x256xf32, #tpu.memory_space<vmem>>) offsets(%arg5 : memref<128xi32, #tpu.memory_space<vmem>>) semaphore(%arg7 : memref<!tpu.dma_semaphore, #tpu.memory_space<semaphore_mem>>)
    %dma_wait3A = arith.constant 0 : i32
    %dma_wait3A_5 = arith.constant 0 : i32
    %dma_wait3A_6 = tpu.memref_slice %arg2[%dma_wait3A, %dma_wait3A_5] : memref<8192x256xf32, #tpu.memory_space<hbm>> -> memref<8192x256xf32, #tpu.memory_space<hbm>>
    tpu.wait_indirect_dma semaphore(%arg7 : memref<!tpu.dma_semaphore, #tpu.memory_space<semaphore_mem>>) src(%dma_wait3A_6 : memref<8192x256xf32, #tpu.memory_space<hbm>>) dst(%arg6 : memref<128x256xf32, #tpu.memory_space<vmem>>)
    "tpu.region"() ({
      %run_scoped3A = tpu.sem_alloc : memref<!tpu.dma_semaphore, #tpu.memory_space<semaphore_mem>>
      %dma_start3A_7 = arith.constant 0 : i32
      %dma_start3A_8 = tpu.memref_slice %arg4[%mul3A_2, %dma_start3A_7] : memref<4096x256xf32, #tpu.memory_space<hbm>> -> memref<128x256xf32, #tpu.memory_space<hbm>>
      %dma_start3A_9 = arith.constant 0 : i32
      %dma_start3A_10 = tpu.memref_slice %arg4[%mul3A_2, %dma_start3A_9] : memref<4096x256xf32, #tpu.memory_space<hbm>> -> memref<128x256xf32, #tpu.memory_space<hbm>>
      tpu.enqueue_dma source(%arg6 : memref<128x256xf32, #tpu.memory_space<vmem>>) target(%dma_start3A_10 : memref<128x256xf32, #tpu.memory_space<hbm>>) target_semaphore(%run_scoped3A : memref<!tpu.dma_semaphore, #tpu.memory_space<semaphore_mem>>)
      %dma_wait3A_11 = arith.constant 0 : i32
      %dma_wait3A_12 = tpu.memref_slice %arg4[%mul3A_2, %dma_wait3A_11] : memref<4096x256xf32, #tpu.memory_space<hbm>> -> memref<128x256xf32, #tpu.memory_space<hbm>>
      %dma_wait3A_13 = arith.constant 0 : i32
      %dma_wait3A_14 = tpu.memref_slice %arg4[%mul3A_2, %dma_wait3A_13] : memref<4096x256xf32, #tpu.memory_space<hbm>> -> memref<128x256xf32, #tpu.memory_space<hbm>>
      tpu.wait_dma2 semaphore(%run_scoped3A : memref<!tpu.dma_semaphore, #tpu.memory_space<semaphore_mem>>) src(%arg6 : memref<128x256xf32, #tpu.memory_space<vmem>>) dst(%dma_wait3A_14 : memref<128x256xf32, #tpu.memory_space<hbm>>)
      tpu.yield
    }) : () -> ()
    return
  }
}

#map = affine_map<(d0, d1) -> (0, 0)>
#map1 = affine_map<(d0, d1) -> (0)>
module attributes {stable_mosaic.version = 14 : i64} {
  func.func @gather(%arg0: i32, %arg1: i32, %arg2: memref<4096x256xf32, #tpu.memory_space<hbm>>, %arg3: memref<4096xi32, #tpu.memory_space<hbm>>, %arg4: memref<4096x256xf32, #tpu.memory_space<hbm>>, %arg5: memref<128xi32, #tpu.memory_space<vmem>>, %arg6: memref<128x256xf32, #tpu.memory_space<vmem>>, %arg7: memref<!tpu.dma_semaphore, #tpu.memory_space<semaphore_mem>>) attributes {dimension_semantics = [#tpu.dimension_semantics<core_parallel>, #tpu.dimension_semantics<subcore_parallel>], iteration_bounds = array<i64: 2, 16>, scalar_prefetch = 0 : i64, scratch_operands = 3 : i64, tpu.core_type = #tpu.core_type<sc_vector_subcore>, window_params = [{transform_indices = #map}, {transform_indices = #map1}, {transform_indices = #map}]} {
    %mul3A = arith.constant 2 : i32
    %mul3A_0 = arith.muli %arg1, %mul3A : i32
    %add3A = arith.addi %mul3A_0, %arg0 : i32
    %mul3A_1 = arith.constant 128 : i32
    %mul3A_2 = arith.muli %add3A, %mul3A_1 : i32
    "tpu.region"() ({
      %run_scoped3A = tpu.sem_alloc : memref<!tpu.dma_semaphore, #tpu.memory_space<semaphore_mem>>
      %dma_start3A_7 = tpu.memref_slice %arg3[%mul3A_2] : memref<4096xi32, #tpu.memory_space<hbm>> -> memref<128xi32, #tpu.memory_space<hbm>>
      %dma_start3A_8 = tpu.memref_slice %arg3[%mul3A_2] : memref<4096xi32, #tpu.memory_space<hbm>> -> memref<128xi32, #tpu.memory_space<hbm>>
      tpu.enqueue_dma source(%dma_start3A_8 : memref<128xi32, #tpu.memory_space<hbm>>) target(%arg5 : memref<128xi32, #tpu.memory_space<vmem>>) target_semaphore(%run_scoped3A : memref<!tpu.dma_semaphore, #tpu.memory_space<semaphore_mem>>)
      %dma_wait3A_9 = tpu.memref_slice %arg3[%mul3A_2] : memref<4096xi32, #tpu.memory_space<hbm>> -> memref<128xi32, #tpu.memory_space<hbm>>
      %dma_wait3A_10 = tpu.memref_slice %arg3[%mul3A_2] : memref<4096xi32, #tpu.memory_space<hbm>> -> memref<128xi32, #tpu.memory_space<hbm>>
      tpu.wait_dma2 semaphore(%run_scoped3A : memref<!tpu.dma_semaphore, #tpu.memory_space<semaphore_mem>>) src(%dma_wait3A_10 : memref<128xi32, #tpu.memory_space<hbm>>) dst(%arg5 : memref<128xi32, #tpu.memory_space<vmem>>)
      tpu.yield
    }) : () -> ()
    %dma_start3A = arith.constant 0 : i32
    %dma_start3A_3 = arith.constant 0 : i32
    %dma_start3A_4 = tpu.memref_slice %arg2[%dma_start3A, %dma_start3A_3] : memref<4096x256xf32, #tpu.memory_space<hbm>> -> memref<4096x256xf32, #tpu.memory_space<hbm>>
    tpu.enqueue_indirect_dma source(%dma_start3A_4 : memref<4096x256xf32, #tpu.memory_space<hbm>>) target(%arg6 : memref<128x256xf32, #tpu.memory_space<vmem>>) offsets(%arg5 : memref<128xi32, #tpu.memory_space<vmem>>) semaphore(%arg7 : memref<!tpu.dma_semaphore, #tpu.memory_space<semaphore_mem>>)
    %dma_wait3A = arith.constant 0 : i32
    %dma_wait3A_5 = arith.constant 0 : i32
    %dma_wait3A_6 = tpu.memref_slice %arg2[%dma_wait3A, %dma_wait3A_5] : memref<4096x256xf32, #tpu.memory_space<hbm>> -> memref<4096x256xf32, #tpu.memory_space<hbm>>
    tpu.wait_indirect_dma semaphore(%arg7 : memref<!tpu.dma_semaphore, #tpu.memory_space<semaphore_mem>>) src(%dma_wait3A_6 : memref<4096x256xf32, #tpu.memory_space<hbm>>) dst(%arg6 : memref<128x256xf32, #tpu.memory_space<vmem>>)
    "tpu.region"() ({
      %run_scoped3A = tpu.sem_alloc : memref<!tpu.dma_semaphore, #tpu.memory_space<semaphore_mem>>
      %dma_start3A_7 = arith.constant 0 : i32
      %dma_start3A_8 = tpu.memref_slice %arg4[%mul3A_2, %dma_start3A_7] : memref<4096x256xf32, #tpu.memory_space<hbm>> -> memref<128x256xf32, #tpu.memory_space<hbm>>
      %dma_start3A_9 = arith.constant 0 : i32
      %dma_start3A_10 = tpu.memref_slice %arg4[%mul3A_2, %dma_start3A_9] : memref<4096x256xf32, #tpu.memory_space<hbm>> -> memref<128x256xf32, #tpu.memory_space<hbm>>
      tpu.enqueue_dma source(%arg6 : memref<128x256xf32, #tpu.memory_space<vmem>>) target(%dma_start3A_10 : memref<128x256xf32, #tpu.memory_space<hbm>>) target_semaphore(%run_scoped3A : memref<!tpu.dma_semaphore, #tpu.memory_space<semaphore_mem>>)
      %dma_wait3A_11 = arith.constant 0 : i32
      %dma_wait3A_12 = tpu.memref_slice %arg4[%mul3A_2, %dma_wait3A_11] : memref<4096x256xf32, #tpu.memory_space<hbm>> -> memref<128x256xf32, #tpu.memory_space<hbm>>
      %dma_wait3A_13 = arith.constant 0 : i32
      %dma_wait3A_14 = tpu.memref_slice %arg4[%mul3A_2, %dma_wait3A_13] : memref<4096x256xf32, #tpu.memory_space<hbm>> -> memref<128x256xf32, #tpu.memory_space<hbm>>
      tpu.wait_dma2 semaphore(%run_scoped3A : memref<!tpu.dma_semaphore, #tpu.memory_space<semaphore_mem>>) src(%arg6 : memref<128x256xf32, #tpu.memory_space<vmem>>) dst(%dma_wait3A_14 : memref<128x256xf32, #tpu.memory_space<hbm>>)
      tpu.yield
    }) : () -> ()
    return
  }
}

module attributes {stable_mosaic.version = 14 : i64} {
  func.func @_sort_body(%arg0: memref<64x128xf32, #tpu.memory_space<vmem>>, %arg1: memref<64x128xf32, #tpu.memory_space<vmem>>, %arg2: memref<64x128xi32, #tpu.memory_space<vmem>>) attributes {dimension_semantics = [], scalar_prefetch = 0 : i64, scratch_operands = 0 : i64, tpu.core_type = #tpu.core_type<tc>} {
    %iota3A = tpu.iota {dimensions = array<i32: 0>} : vector<64x128xi32>
    %iota3A_0 = tpu.iota {dimensions = array<i32: 1>} : vector<64x128xi32>
    %mul3A = arith.constant 128 : i32
    %mul3A_1 = vector.broadcast %mul3A : i32 to vector<64x128xi32>
    %mul3A_2 = arith.muli %iota3A, %mul3A_1 : vector<64x128xi32>
    %add3A = arith.addi %mul3A_2, %iota3A_0 : vector<64x128xi32>
    %get3A = arith.constant 0 : index
    %get3A_3 = arith.constant 0 : index
    %get3A_4 = vector.load %arg0[%get3A, %get3A_3] : memref<64x128xf32, #tpu.memory_space<vmem>>, vector<64x128xf32>
    %scan3A = arith.constant 1 : i32
    %scan3A_5 = arith.constant 13 : i32
    %scan3A_6 = arith.addi %scan3A, %scan3A_5 : i32
    %scan3A_7 = arith.constant 1 : i32
    %scan3A_8:2 = scf.for %scan3A_15 = %scan3A to %scan3A_6 step %scan3A_7 iter_args(%scan3A_16 = %get3A_4, %scan3A_17 = %add3A) -> (vector<64x128xf32>, vector<64x128xi32>)  : i32 {
      %shift_left3A = arith.constant 1 : i32
      %shift_left3A_18 = arith.shli %shift_left3A, %scan3A_15 : i32
      %sub3A = arith.constant 7 : i32
      %sub3A_19 = arith.subi %scan3A_15, %sub3A : i32
      %max3A = arith.constant 0 : i32
      %max3A_20 = arith.maxsi %sub3A_19, %max3A : i32
      %while3A = arith.constant 0 : i32
      %while3A_21 = arith.subi %max3A_20, %while3A : i32
      %while3A_22 = arith.addi %while3A, %while3A_21 : i32
      %while3A_23 = arith.constant 1 : i32
      %while3A_24 = arith.divsi %while3A_21, %while3A_23 : i32
      %while3A_25 = arith.muli %while3A_24, %while3A_23 : i32
      %while3A_26 = arith.addi %while3A, %while3A_25 : i32
      %while3A_27 = arith.constant 1 : i32
      %while3A_28:2 = scf.for %while3A_43 = %while3A to %while3A_26 step %while3A_27 iter_args(%while3A_44 = %scan3A_16, %while3A_45 = %scan3A_17) -> (vector<64x128xf32>, vector<64x128xi32>)  : i32 {
        %sub3A_46 = arith.constant 1 : i32
        %sub3A_47 = arith.subi %scan3A_15, %sub3A_46 : i32
        %sub3A_48 = arith.subi %sub3A_47, %while3A_43 : i32
        %sub3A_49 = arith.constant 7 : i32
        %sub3A_50 = arith.subi %sub3A_48, %sub3A_49 : i32
        %shift_left3A_51 = arith.constant 1 : i32
        %shift_left3A_52 = arith.shli %shift_left3A_51, %sub3A_50 : i32
        %and3A = vector.broadcast %shift_left3A_52 : i32 to vector<64x128xi32>
        %and3A_53 = arith.andi %iota3A, %and3A : vector<64x128xi32>
        %eq3A = arith.constant 0 : i32
        %eq3A_54 = vector.broadcast %eq3A : i32 to vector<64x128xi32>
        %eq3A_55 = arith.cmpi eq, %and3A_53, %eq3A_54 : vector<64x128xi32>
        %neg3A = arith.constant 0 : i32
        %neg3A_56 = arith.subi %neg3A, %shift_left3A_52 : i32
        %roll3A = tpu.dynamic_rotate %while3A_44 by %neg3A_56 dim 0 : vector<64x128xf32>, i32 -> vector<64x128xf32>
        %roll3A_57 = tpu.dynamic_rotate %while3A_44 by %shift_left3A_52 dim 0 : vector<64x128xf32>, i32 -> vector<64x128xf32>
        %select_n3A = arith.select %eq3A_55, %roll3A, %roll3A_57 : vector<64x128xi1>, vector<64x128xf32>
        %neg3A_58 = arith.constant 0 : i32
        %neg3A_59 = arith.subi %neg3A_58, %shift_left3A_52 : i32
        %roll3A_60 = tpu.dynamic_rotate %while3A_45 by %neg3A_59 dim 0 : vector<64x128xi32>, i32 -> vector<64x128xi32>
        %roll3A_61 = tpu.dynamic_rotate %while3A_45 by %shift_left3A_52 dim 0 : vector<64x128xi32>, i32 -> vector<64x128xi32>
        %select_n3A_62 = arith.select %eq3A_55, %roll3A_60, %roll3A_61 : vector<64x128xi1>, vector<64x128xi32>
        %and3A_63 = vector.broadcast %shift_left3A_18 : i32 to vector<64x128xi32>
        %and3A_64 = arith.andi %add3A, %and3A_63 : vector<64x128xi32>
        %eq3A_65 = arith.constant 0 : i32
        %eq3A_66 = vector.broadcast %eq3A_65 : i32 to vector<64x128xi32>
        %eq3A_67 = arith.cmpi eq, %and3A_64, %eq3A_66 : vector<64x128xi32>
        %gt3A = arith.cmpf ogt, %while3A_44, %select_n3A : vector<64x128xf32>
        %eq3A_68 = arith.cmpf oeq, %while3A_44, %select_n3A : vector<64x128xf32>
        %lt3A = arith.cmpi slt, %while3A_45, %select_n3A_62 : vector<64x128xi32>
        %and3A_69 = arith.andi %eq3A_68, %lt3A : vector<64x128xi1>
        %or3A = arith.ori %gt3A, %and3A_69 : vector<64x128xi1>
        %eq3A_70 = arith.xori %eq3A_55, %eq3A_67 : vector<64x128xi1>
        %eq3A_71 = arith.constant dense<true> : vector<64x128xi1>
        %eq3A_72 = arith.xori %eq3A_70, %eq3A_71 : vector<64x128xi1>
        %eq3A_73 = arith.xori %eq3A_72, %or3A : vector<64x128xi1>
        %eq3A_74 = arith.constant dense<true> : vector<64x128xi1>
        %eq3A_75 = arith.xori %eq3A_73, %eq3A_74 : vector<64x128xi1>
        %select_n3A_76 = arith.select %eq3A_75, %while3A_44, %select_n3A : vector<64x128xi1>, vector<64x128xf32>
        %select_n3A_77 = arith.select %eq3A_75, %while3A_45, %select_n3A_62 : vector<64x128xi1>, vector<64x128xi32>
        scf.yield %select_n3A_76, %select_n3A_77 : vector<64x128xf32>, vector<64x128xi32>
      }
      %while3A_29 = arith.constant 1 : i32
      %while3A_30:2 = scf.for %while3A_43 = %while3A_26 to %while3A_22 step %while3A_29 iter_args(%while3A_44 = %while3A_28#0, %while3A_45 = %while3A_28#1) -> (vector<64x128xf32>, vector<64x128xi32>)  : i32 {
        %sub3A_46 = arith.constant 1 : i32
        %sub3A_47 = arith.subi %scan3A_15, %sub3A_46 : i32
        %sub3A_48 = arith.subi %sub3A_47, %while3A_43 : i32
        %sub3A_49 = arith.constant 7 : i32
        %sub3A_50 = arith.subi %sub3A_48, %sub3A_49 : i32
        %shift_left3A_51 = arith.constant 1 : i32
        %shift_left3A_52 = arith.shli %shift_left3A_51, %sub3A_50 : i32
        %and3A = vector.broadcast %shift_left3A_52 : i32 to vector<64x128xi32>
        %and3A_53 = arith.andi %iota3A, %and3A : vector<64x128xi32>
        %eq3A = arith.constant 0 : i32
        %eq3A_54 = vector.broadcast %eq3A : i32 to vector<64x128xi32>
        %eq3A_55 = arith.cmpi eq, %and3A_53, %eq3A_54 : vector<64x128xi32>
        %neg3A = arith.constant 0 : i32
        %neg3A_56 = arith.subi %neg3A, %shift_left3A_52 : i32
        %roll3A = tpu.dynamic_rotate %while3A_44 by %neg3A_56 dim 0 : vector<64x128xf32>, i32 -> vector<64x128xf32>
        %roll3A_57 = tpu.dynamic_rotate %while3A_44 by %shift_left3A_52 dim 0 : vector<64x128xf32>, i32 -> vector<64x128xf32>
        %select_n3A = arith.select %eq3A_55, %roll3A, %roll3A_57 : vector<64x128xi1>, vector<64x128xf32>
        %neg3A_58 = arith.constant 0 : i32
        %neg3A_59 = arith.subi %neg3A_58, %shift_left3A_52 : i32
        %roll3A_60 = tpu.dynamic_rotate %while3A_45 by %neg3A_59 dim 0 : vector<64x128xi32>, i32 -> vector<64x128xi32>
        %roll3A_61 = tpu.dynamic_rotate %while3A_45 by %shift_left3A_52 dim 0 : vector<64x128xi32>, i32 -> vector<64x128xi32>
        %select_n3A_62 = arith.select %eq3A_55, %roll3A_60, %roll3A_61 : vector<64x128xi1>, vector<64x128xi32>
        %and3A_63 = vector.broadcast %shift_left3A_18 : i32 to vector<64x128xi32>
        %and3A_64 = arith.andi %add3A, %and3A_63 : vector<64x128xi32>
        %eq3A_65 = arith.constant 0 : i32
        %eq3A_66 = vector.broadcast %eq3A_65 : i32 to vector<64x128xi32>
        %eq3A_67 = arith.cmpi eq, %and3A_64, %eq3A_66 : vector<64x128xi32>
        %gt3A = arith.cmpf ogt, %while3A_44, %select_n3A : vector<64x128xf32>
        %eq3A_68 = arith.cmpf oeq, %while3A_44, %select_n3A : vector<64x128xf32>
        %lt3A = arith.cmpi slt, %while3A_45, %select_n3A_62 : vector<64x128xi32>
        %and3A_69 = arith.andi %eq3A_68, %lt3A : vector<64x128xi1>
        %or3A = arith.ori %gt3A, %and3A_69 : vector<64x128xi1>
        %eq3A_70 = arith.xori %eq3A_55, %eq3A_67 : vector<64x128xi1>
        %eq3A_71 = arith.constant dense<true> : vector<64x128xi1>
        %eq3A_72 = arith.xori %eq3A_70, %eq3A_71 : vector<64x128xi1>
        %eq3A_73 = arith.xori %eq3A_72, %or3A : vector<64x128xi1>
        %eq3A_74 = arith.constant dense<true> : vector<64x128xi1>
        %eq3A_75 = arith.xori %eq3A_73, %eq3A_74 : vector<64x128xi1>
        %select_n3A_76 = arith.select %eq3A_75, %while3A_44, %select_n3A : vector<64x128xi1>, vector<64x128xf32>
        %select_n3A_77 = arith.select %eq3A_75, %while3A_45, %select_n3A_62 : vector<64x128xi1>, vector<64x128xi32>
        scf.yield %select_n3A_76, %select_n3A_77 : vector<64x128xf32>, vector<64x128xi32>
      }
      %min3A = arith.constant 7 : i32
      %min3A_31 = arith.minsi %scan3A_15, %min3A : i32
      %while3A_32 = arith.constant 0 : i32
      %while3A_33 = arith.subi %min3A_31, %while3A_32 : i32
      %while3A_34 = arith.addi %while3A_32, %while3A_33 : i32
      %while3A_35 = arith.constant 1 : i32
      %while3A_36 = arith.divsi %while3A_33, %while3A_35 : i32
      %while3A_37 = arith.muli %while3A_36, %while3A_35 : i32
      %while3A_38 = arith.addi %while3A_32, %while3A_37 : i32
      %while3A_39 = arith.constant 1 : i32
      %while3A_40:2 = scf.for %while3A_43 = %while3A_32 to %while3A_38 step %while3A_39 iter_args(%while3A_44 = %while3A_30#0, %while3A_45 = %while3A_30#1) -> (vector<64x128xf32>, vector<64x128xi32>)  : i32 {
        %sub3A_46 = arith.constant 1 : i32
        %sub3A_47 = arith.subi %scan3A_15, %sub3A_46 : i32
        %min3A_48 = arith.constant 6 : i32
        %min3A_49 = arith.minsi %sub3A_47, %min3A_48 : i32
        %sub3A_50 = arith.subi %min3A_49, %while3A_43 : i32
        %shift_left3A_51 = arith.constant 1 : i32
        %shift_left3A_52 = arith.shli %shift_left3A_51, %sub3A_50 : i32
        %and3A = vector.broadcast %shift_left3A_52 : i32 to vector<64x128xi32>
        %and3A_53 = arith.andi %iota3A_0, %and3A : vector<64x128xi32>
        %eq3A = arith.constant 0 : i32
        %eq3A_54 = vector.broadcast %eq3A : i32 to vector<64x128xi32>
        %eq3A_55 = arith.cmpi eq, %and3A_53, %eq3A_54 : vector<64x128xi32>
        %neg3A = arith.constant 0 : i32
        %neg3A_56 = arith.subi %neg3A, %shift_left3A_52 : i32
        %roll3A = tpu.dynamic_rotate %while3A_44 by %neg3A_56 dim 1 : vector<64x128xf32>, i32 -> vector<64x128xf32>
        %roll3A_57 = tpu.dynamic_rotate %while3A_44 by %shift_left3A_52 dim 1 : vector<64x128xf32>, i32 -> vector<64x128xf32>
        %select_n3A = arith.select %eq3A_55, %roll3A, %roll3A_57 : vector<64x128xi1>, vector<64x128xf32>
        %neg3A_58 = arith.constant 0 : i32
        %neg3A_59 = arith.subi %neg3A_58, %shift_left3A_52 : i32
        %roll3A_60 = tpu.dynamic_rotate %while3A_45 by %neg3A_59 dim 1 : vector<64x128xi32>, i32 -> vector<64x128xi32>
        %roll3A_61 = tpu.dynamic_rotate %while3A_45 by %shift_left3A_52 dim 1 : vector<64x128xi32>, i32 -> vector<64x128xi32>
        %select_n3A_62 = arith.select %eq3A_55, %roll3A_60, %roll3A_61 : vector<64x128xi1>, vector<64x128xi32>
        %and3A_63 = vector.broadcast %shift_left3A_18 : i32 to vector<64x128xi32>
        %and3A_64 = arith.andi %add3A, %and3A_63 : vector<64x128xi32>
        %eq3A_65 = arith.constant 0 : i32
        %eq3A_66 = vector.broadcast %eq3A_65 : i32 to vector<64x128xi32>
        %eq3A_67 = arith.cmpi eq, %and3A_64, %eq3A_66 : vector<64x128xi32>
        %gt3A = arith.cmpf ogt, %while3A_44, %select_n3A : vector<64x128xf32>
        %eq3A_68 = arith.cmpf oeq, %while3A_44, %select_n3A : vector<64x128xf32>
        %lt3A = arith.cmpi slt, %while3A_45, %select_n3A_62 : vector<64x128xi32>
        %and3A_69 = arith.andi %eq3A_68, %lt3A : vector<64x128xi1>
        %or3A = arith.ori %gt3A, %and3A_69 : vector<64x128xi1>
        %eq3A_70 = arith.xori %eq3A_55, %eq3A_67 : vector<64x128xi1>
        %eq3A_71 = arith.constant dense<true> : vector<64x128xi1>
        %eq3A_72 = arith.xori %eq3A_70, %eq3A_71 : vector<64x128xi1>
        %eq3A_73 = arith.xori %eq3A_72, %or3A : vector<64x128xi1>
        %eq3A_74 = arith.constant dense<true> : vector<64x128xi1>
        %eq3A_75 = arith.xori %eq3A_73, %eq3A_74 : vector<64x128xi1>
        %select_n3A_76 = arith.select %eq3A_75, %while3A_44, %select_n3A : vector<64x128xi1>, vector<64x128xf32>
        %select_n3A_77 = arith.select %eq3A_75, %while3A_45, %select_n3A_62 : vector<64x128xi1>, vector<64x128xi32>
        scf.yield %select_n3A_76, %select_n3A_77 : vector<64x128xf32>, vector<64x128xi32>
      }
      %while3A_41 = arith.constant 1 : i32
      %while3A_42:2 = scf.for %while3A_43 = %while3A_38 to %while3A_34 step %while3A_41 iter_args(%while3A_44 = %while3A_40#0, %while3A_45 = %while3A_40#1) -> (vector<64x128xf32>, vector<64x128xi32>)  : i32 {
        %sub3A_46 = arith.constant 1 : i32
        %sub3A_47 = arith.subi %scan3A_15, %sub3A_46 : i32
        %min3A_48 = arith.constant 6 : i32
        %min3A_49 = arith.minsi %sub3A_47, %min3A_48 : i32
        %sub3A_50 = arith.subi %min3A_49, %while3A_43 : i32
        %shift_left3A_51 = arith.constant 1 : i32
        %shift_left3A_52 = arith.shli %shift_left3A_51, %sub3A_50 : i32
        %and3A = vector.broadcast %shift_left3A_52 : i32 to vector<64x128xi32>
        %and3A_53 = arith.andi %iota3A_0, %and3A : vector<64x128xi32>
        %eq3A = arith.constant 0 : i32
        %eq3A_54 = vector.broadcast %eq3A : i32 to vector<64x128xi32>
        %eq3A_55 = arith.cmpi eq, %and3A_53, %eq3A_54 : vector<64x128xi32>
        %neg3A = arith.constant 0 : i32
        %neg3A_56 = arith.subi %neg3A, %shift_left3A_52 : i32
        %roll3A = tpu.dynamic_rotate %while3A_44 by %neg3A_56 dim 1 : vector<64x128xf32>, i32 -> vector<64x128xf32>
        %roll3A_57 = tpu.dynamic_rotate %while3A_44 by %shift_left3A_52 dim 1 : vector<64x128xf32>, i32 -> vector<64x128xf32>
        %select_n3A = arith.select %eq3A_55, %roll3A, %roll3A_57 : vector<64x128xi1>, vector<64x128xf32>
        %neg3A_58 = arith.constant 0 : i32
        %neg3A_59 = arith.subi %neg3A_58, %shift_left3A_52 : i32
        %roll3A_60 = tpu.dynamic_rotate %while3A_45 by %neg3A_59 dim 1 : vector<64x128xi32>, i32 -> vector<64x128xi32>
        %roll3A_61 = tpu.dynamic_rotate %while3A_45 by %shift_left3A_52 dim 1 : vector<64x128xi32>, i32 -> vector<64x128xi32>
        %select_n3A_62 = arith.select %eq3A_55, %roll3A_60, %roll3A_61 : vector<64x128xi1>, vector<64x128xi32>
        %and3A_63 = vector.broadcast %shift_left3A_18 : i32 to vector<64x128xi32>
        %and3A_64 = arith.andi %add3A, %and3A_63 : vector<64x128xi32>
        %eq3A_65 = arith.constant 0 : i32
        %eq3A_66 = vector.broadcast %eq3A_65 : i32 to vector<64x128xi32>
        %eq3A_67 = arith.cmpi eq, %and3A_64, %eq3A_66 : vector<64x128xi32>
        %gt3A = arith.cmpf ogt, %while3A_44, %select_n3A : vector<64x128xf32>
        %eq3A_68 = arith.cmpf oeq, %while3A_44, %select_n3A : vector<64x128xf32>
        %lt3A = arith.cmpi slt, %while3A_45, %select_n3A_62 : vector<64x128xi32>
        %and3A_69 = arith.andi %eq3A_68, %lt3A : vector<64x128xi1>
        %or3A = arith.ori %gt3A, %and3A_69 : vector<64x128xi1>
        %eq3A_70 = arith.xori %eq3A_55, %eq3A_67 : vector<64x128xi1>
        %eq3A_71 = arith.constant dense<true> : vector<64x128xi1>
        %eq3A_72 = arith.xori %eq3A_70, %eq3A_71 : vector<64x128xi1>
        %eq3A_73 = arith.xori %eq3A_72, %or3A : vector<64x128xi1>
        %eq3A_74 = arith.constant dense<true> : vector<64x128xi1>
        %eq3A_75 = arith.xori %eq3A_73, %eq3A_74 : vector<64x128xi1>
        %select_n3A_76 = arith.select %eq3A_75, %while3A_44, %select_n3A : vector<64x128xi1>, vector<64x128xf32>
        %select_n3A_77 = arith.select %eq3A_75, %while3A_45, %select_n3A_62 : vector<64x128xi1>, vector<64x128xi32>
        scf.yield %select_n3A_76, %select_n3A_77 : vector<64x128xf32>, vector<64x128xi32>
      }
      scf.yield %while3A_42#0, %while3A_42#1 : vector<64x128xf32>, vector<64x128xi32>
    }
    %scan3A_9 = arith.constant 13 : i32
    %swap3A = arith.constant 0 : index
    %swap3A_10 = arith.constant 0 : index
    %swap3A_11 = vector.load %arg1[%swap3A, %swap3A_10] : memref<64x128xf32, #tpu.memory_space<vmem>>, vector<64x128xf32>
    tpu.vector_store %arg1[%swap3A, %swap3A_10], %scan3A_8#0 {strides = array<i32>} : memref<64x128xf32, #tpu.memory_space<vmem>>, vector<64x128xf32>,
    %swap3A_12 = arith.constant 0 : index
    %swap3A_13 = arith.constant 0 : index
    %swap3A_14 = vector.load %arg2[%swap3A_12, %swap3A_13] : memref<64x128xi32, #tpu.memory_space<vmem>>, vector<64x128xi32>
    tpu.vector_store %arg2[%swap3A_12, %swap3A_13], %scan3A_8#1 {strides = array<i32>} : memref<64x128xi32, #tpu.memory_space<vmem>>, vector<64x128xi32>,
    return
  }
}

module attributes {stable_mosaic.version = 14 : i64} {
  func.func @_normalize_body(%arg0: i32, %arg1: memref<512x256xf32, #tpu.memory_space<vmem>>, %arg2: memref<512x1xf32, #tpu.memory_space<vmem>>, %arg3: memref<512x256xbf16, #tpu.memory_space<vmem>>, %arg4: memref<1x256xf32, #tpu.memory_space<vmem>>) attributes {dimension_semantics = [#tpu.dimension_semantics<arbitrary>], iteration_bounds = array<i64: 8>, scalar_prefetch = 0 : i64, scratch_operands = 0 : i64, tpu.core_type = #tpu.core_type<tc>, window_params = [{transform_indices = @transform_0, window_bounds = array<i64: 512, 256>}, {transform_indices = @transform_1, window_bounds = array<i64: 512, 1>}, {transform_indices = @transform_2, window_bounds = array<i64: 512, 256>}, {pipeline_mode = #tpu.pipeline_mode<synchronous>, transform_indices = @transform_3, window_bounds = array<i64: 1, 256>}]} {
    %get3A = arith.constant 0 : index
    %get3A_0 = arith.constant 0 : index
    %get3A_1 = vector.load %arg1[%get3A, %get3A_0] : memref<512x256xf32, #tpu.memory_space<vmem>>, vector<512x256xf32>
    %mul3A = arith.mulf %get3A_1, %get3A_1 : vector<512x256xf32>
    %reduce_sum3A = arith.constant dense<0.000000e+00> : vector<512xf32>
    %reduce_sum3A_2 = vector.multi_reduction <add>, %mul3A, %reduce_sum3A [1] : vector<512x256xf32> to vector<512xf32>
    %broadcast_in_dim3A = vector.shape_cast %reduce_sum3A_2 : vector<512xf32> to vector<512x1xf32>
    %sqrt3A = math.sqrt %broadcast_in_dim3A : vector<512x1xf32>
    %div3A = vector.broadcast %sqrt3A : vector<512x1xf32> to vector<512x256xf32>
    %div3A_3 = arith.divf %get3A_1, %div3A : vector<512x256xf32>
    %convert_element_type3A = arith.truncf %div3A_3 : vector<512x256xf32> to vector<512x256xbf16>
    %swap3A = arith.constant 0 : index
    %swap3A_4 = arith.constant 0 : index
    %swap3A_5 = vector.load %arg3[%swap3A, %swap3A_4] : memref<512x256xbf16, #tpu.memory_space<vmem>>, vector<512x256xbf16>
    tpu.vector_store %arg3[%swap3A, %swap3A_4], %convert_element_type3A {strides = array<i32>} : memref<512x256xbf16, #tpu.memory_space<vmem>>, vector<512x256xbf16>,
    %eq3A = arith.constant 0 : i32
    %eq3A_6 = arith.cmpi eq, %arg0, %eq3A : i32
    %convert_element_type3A_7 = arith.extui %eq3A_6 : i1 to i32
    %cond3A = arith.constant 0 : i32
    %cond3A_8 = arith.cmpi ne, %convert_element_type3A_7, %cond3A : i32
    scf.if %cond3A_8 {
      %broadcast_in_dim3A_23 = arith.constant 0.000000e+00 : f32
      %broadcast_in_dim3A_24 = vector.broadcast %broadcast_in_dim3A_23 : f32 to vector<1x256xf32>
      %swap3A_25 = arith.constant 0 : index
      %swap3A_26 = arith.constant 0 : index
      %swap3A_27 = vector.load %arg4[%swap3A_25, %swap3A_26] : memref<1x256xf32, #tpu.memory_space<vmem>>, vector<1x256xf32>
      tpu.vector_store %arg4[%swap3A_25, %swap3A_26], %broadcast_in_dim3A_24 {strides = array<i32>} : memref<1x256xf32, #tpu.memory_space<vmem>>, vector<1x256xf32>,
    } else {
    }
    %get3A_9 = arith.constant 0 : index
    %get3A_10 = arith.constant 0 : index
    %get3A_11 = vector.load %arg4[%get3A_9, %get3A_10] : memref<1x256xf32, #tpu.memory_space<vmem>>, vector<1x256xf32>
    %get3A_12 = arith.constant 0 : index
    %get3A_13 = arith.constant 0 : index
    %get3A_14 = vector.load %arg2[%get3A_12, %get3A_13] : memref<512x1xf32, #tpu.memory_space<vmem>>, vector<512x1xf32>
    %mul3A_15 = vector.broadcast %get3A_14 : vector<512x1xf32> to vector<512x256xf32>
    %mul3A_16 = arith.mulf %get3A_1, %mul3A_15 : vector<512x256xf32>
    %reduce_sum3A_17 = arith.constant dense<0.000000e+00> : vector<256xf32>
    %reduce_sum3A_18 = vector.multi_reduction <add>, %mul3A_16, %reduce_sum3A_17 [0] : vector<512x256xf32> to vector<256xf32>
    %broadcast_in_dim3A_19 = vector.shape_cast %reduce_sum3A_18 : vector<256xf32> to vector<1x256xf32>
    %add3A = arith.addf %get3A_11, %broadcast_in_dim3A_19 : vector<1x256xf32>
    %swap3A_20 = arith.constant 0 : index
    %swap3A_21 = arith.constant 0 : index
    %swap3A_22 = vector.load %arg4[%swap3A_20, %swap3A_21] : memref<1x256xf32, #tpu.memory_space<vmem>>, vector<1x256xf32>
    tpu.vector_store %arg4[%swap3A_20, %swap3A_21], %add3A {strides = array<i32>} : memref<1x256xf32, #tpu.memory_space<vmem>>, vector<1x256xf32>,
    return
  }
  func.func @transform_0(%arg0: i32) -> (i32, i32) {
    %c0_i32 = arith.constant 0 : i32
    %c0_i32_0 = arith.constant 0 : i32
    return %arg0, %c0_i32 : i32, i32
  }
  func.func @transform_1(%arg0: i32) -> (i32, i32) {
    %c0_i32 = arith.constant 0 : i32
    %c0_i32_0 = arith.constant 0 : i32
    return %arg0, %c0_i32 : i32, i32
  }
  func.func @transform_2(%arg0: i32) -> (i32, i32) {
    %c0_i32 = arith.constant 0 : i32
    %c0_i32_0 = arith.constant 0 : i32
    return %arg0, %c0_i32 : i32, i32
  }
  func.func @transform_3(%arg0: i32) -> (i32, i32) {
    %c0_i32 = arith.constant 0 : i32
    %c0_i32_0 = arith.constant 0 : i32
    %c0_i32_1 = arith.constant 0 : i32
    return %c0_i32, %c0_i32_0 : i32, i32
  }
}

module attributes {stable_mosaic.version = 14 : i64} {
  func.func @_attn_mean_body(%arg0: i32, %arg1: memref<16x64x1024xf32, #tpu.memory_space<vmem>>, %arg2: memref<1x1024xf32, #tpu.memory_space<vmem>>) attributes {dimension_semantics = [#tpu.dimension_semantics<arbitrary>], iteration_bounds = array<i64: 8>, scalar_prefetch = 0 : i64, scratch_operands = 0 : i64, tpu.core_type = #tpu.core_type<tc>, window_params = [{transform_indices = @transform_0, window_bounds = array<i64: 16, 64, 1024>}, {transform_indices = @transform_1, window_bounds = array<i64: 1, 1024>}]} {
    %get3A = arith.constant 0 : index
    %get3A_0 = arith.constant 0 : index
    %get3A_1 = arith.constant 0 : index
    %get3A_2 = vector.load %arg1[%get3A, %get3A_0, %get3A_1] : memref<16x64x1024xf32, #tpu.memory_space<vmem>>, vector<1x64x1024xf32>
    %get3A_3 = vector.shape_cast %get3A_2 : vector<1x64x1024xf32> to vector<64x1024xf32>
    %get3A_4 = arith.constant 1 : index
    %get3A_5 = arith.constant 0 : index
    %get3A_6 = arith.constant 0 : index
    %get3A_7 = vector.load %arg1[%get3A_4, %get3A_5, %get3A_6] : memref<16x64x1024xf32, #tpu.memory_space<vmem>>, vector<1x64x1024xf32>
    %get3A_8 = vector.shape_cast %get3A_7 : vector<1x64x1024xf32> to vector<64x1024xf32>
    %add3A = arith.addf %get3A_3, %get3A_8 : vector<64x1024xf32>
    %get3A_9 = arith.constant 2 : index
    %get3A_10 = arith.constant 0 : index
    %get3A_11 = arith.constant 0 : index
    %get3A_12 = vector.load %arg1[%get3A_9, %get3A_10, %get3A_11] : memref<16x64x1024xf32, #tpu.memory_space<vmem>>, vector<1x64x1024xf32>
    %get3A_13 = vector.shape_cast %get3A_12 : vector<1x64x1024xf32> to vector<64x1024xf32>
    %add3A_14 = arith.addf %add3A, %get3A_13 : vector<64x1024xf32>
    %get3A_15 = arith.constant 3 : index
    %get3A_16 = arith.constant 0 : index
    %get3A_17 = arith.constant 0 : index
    %get3A_18 = vector.load %arg1[%get3A_15, %get3A_16, %get3A_17] : memref<16x64x1024xf32, #tpu.memory_space<vmem>>, vector<1x64x1024xf32>
    %get3A_19 = vector.shape_cast %get3A_18 : vector<1x64x1024xf32> to vector<64x1024xf32>
    %add3A_20 = arith.addf %add3A_14, %get3A_19 : vector<64x1024xf32>
    %get3A_21 = arith.constant 4 : index
    %get3A_22 = arith.constant 0 : index
    %get3A_23 = arith.constant 0 : index
    %get3A_24 = vector.load %arg1[%get3A_21, %get3A_22, %get3A_23] : memref<16x64x1024xf32, #tpu.memory_space<vmem>>, vector<1x64x1024xf32>
    %get3A_25 = vector.shape_cast %get3A_24 : vector<1x64x1024xf32> to vector<64x1024xf32>
    %add3A_26 = arith.addf %add3A_20, %get3A_25 : vector<64x1024xf32>
    %get3A_27 = arith.constant 5 : index
    %get3A_28 = arith.constant 0 : index
    %get3A_29 = arith.constant 0 : index
    %get3A_30 = vector.load %arg1[%get3A_27, %get3A_28, %get3A_29] : memref<16x64x1024xf32, #tpu.memory_space<vmem>>, vector<1x64x1024xf32>
    %get3A_31 = vector.shape_cast %get3A_30 : vector<1x64x1024xf32> to vector<64x1024xf32>
    %add3A_32 = arith.addf %add3A_26, %get3A_31 : vector<64x1024xf32>
    %get3A_33 = arith.constant 6 : index
    %get3A_34 = arith.constant 0 : index
    %get3A_35 = arith.constant 0 : index
    %get3A_36 = vector.load %arg1[%get3A_33, %get3A_34, %get3A_35] : memref<16x64x1024xf32, #tpu.memory_space<vmem>>, vector<1x64x1024xf32>
    %get3A_37 = vector.shape_cast %get3A_36 : vector<1x64x1024xf32> to vector<64x1024xf32>
    %add3A_38 = arith.addf %add3A_32, %get3A_37 : vector<64x1024xf32>
    %get3A_39 = arith.constant 7 : index
    %get3A_40 = arith.constant 0 : index
    %get3A_41 = arith.constant 0 : index
    %get3A_42 = vector.load %arg1[%get3A_39, %get3A_40, %get3A_41] : memref<16x64x1024xf32, #tpu.memory_space<vmem>>, vector<1x64x1024xf32>
    %get3A_43 = vector.shape_cast %get3A_42 : vector<1x64x1024xf32> to vector<64x1024xf32>
    %add3A_44 = arith.addf %add3A_38, %get3A_43 : vector<64x1024xf32>
    %get3A_45 = arith.constant 8 : index
    %get3A_46 = arith.constant 0 : index
    %get3A_47 = arith.constant 0 : index
    %get3A_48 = vector.load %arg1[%get3A_45, %get3A_46, %get3A_47] : memref<16x64x1024xf32, #tpu.memory_space<vmem>>, vector<1x64x1024xf32>
    %get3A_49 = vector.shape_cast %get3A_48 : vector<1x64x1024xf32> to vector<64x1024xf32>
    %add3A_50 = arith.addf %add3A_44, %get3A_49 : vector<64x1024xf32>
    %get3A_51 = arith.constant 9 : index
    %get3A_52 = arith.constant 0 : index
    %get3A_53 = arith.constant 0 : index
    %get3A_54 = vector.load %arg1[%get3A_51, %get3A_52, %get3A_53] : memref<16x64x1024xf32, #tpu.memory_space<vmem>>, vector<1x64x1024xf32>
    %get3A_55 = vector.shape_cast %get3A_54 : vector<1x64x1024xf32> to vector<64x1024xf32>
    %add3A_56 = arith.addf %add3A_50, %get3A_55 : vector<64x1024xf32>
    %get3A_57 = arith.constant 10 : index
    %get3A_58 = arith.constant 0 : index
    %get3A_59 = arith.constant 0 : index
    %get3A_60 = vector.load %arg1[%get3A_57, %get3A_58, %get3A_59] : memref<16x64x1024xf32, #tpu.memory_space<vmem>>, vector<1x64x1024xf32>
    %get3A_61 = vector.shape_cast %get3A_60 : vector<1x64x1024xf32> to vector<64x1024xf32>
    %add3A_62 = arith.addf %add3A_56, %get3A_61 : vector<64x1024xf32>
    %get3A_63 = arith.constant 11 : index
    %get3A_64 = arith.constant 0 : index
    %get3A_65 = arith.constant 0 : index
    %get3A_66 = vector.load %arg1[%get3A_63, %get3A_64, %get3A_65] : memref<16x64x1024xf32, #tpu.memory_space<vmem>>, vector<1x64x1024xf32>
    %get3A_67 = vector.shape_cast %get3A_66 : vector<1x64x1024xf32> to vector<64x1024xf32>
    %add3A_68 = arith.addf %add3A_62, %get3A_67 : vector<64x1024xf32>
    %get3A_69 = arith.constant 12 : index
    %get3A_70 = arith.constant 0 : index
    %get3A_71 = arith.constant 0 : index
    %get3A_72 = vector.load %arg1[%get3A_69, %get3A_70, %get3A_71] : memref<16x64x1024xf32, #tpu.memory_space<vmem>>, vector<1x64x1024xf32>
    %get3A_73 = vector.shape_cast %get3A_72 : vector<1x64x1024xf32> to vector<64x1024xf32>
    %add3A_74 = arith.addf %add3A_68, %get3A_73 : vector<64x1024xf32>
    %get3A_75 = arith.constant 13 : index
    %get3A_76 = arith.constant 0 : index
    %get3A_77 = arith.constant 0 : index
    %get3A_78 = vector.load %arg1[%get3A_75, %get3A_76, %get3A_77] : memref<16x64x1024xf32, #tpu.memory_space<vmem>>, vector<1x64x1024xf32>
    %get3A_79 = vector.shape_cast %get3A_78 : vector<1x64x1024xf32> to vector<64x1024xf32>
    %add3A_80 = arith.addf %add3A_74, %get3A_79 : vector<64x1024xf32>
    %get3A_81 = arith.constant 14 : index
    %get3A_82 = arith.constant 0 : index
    %get3A_83 = arith.constant 0 : index
    %get3A_84 = vector.load %arg1[%get3A_81, %get3A_82, %get3A_83] : memref<16x64x1024xf32, #tpu.memory_space<vmem>>, vector<1x64x1024xf32>
    %get3A_85 = vector.shape_cast %get3A_84 : vector<1x64x1024xf32> to vector<64x1024xf32>
    %add3A_86 = arith.addf %add3A_80, %get3A_85 : vector<64x1024xf32>
    %get3A_87 = arith.constant 15 : index
    %get3A_88 = arith.constant 0 : index
    %get3A_89 = arith.constant 0 : index
    %get3A_90 = vector.load %arg1[%get3A_87, %get3A_88, %get3A_89] : memref<16x64x1024xf32, #tpu.memory_space<vmem>>, vector<1x64x1024xf32>
    %get3A_91 = vector.shape_cast %get3A_90 : vector<1x64x1024xf32> to vector<64x1024xf32>
    %add3A_92 = arith.addf %add3A_86, %get3A_91 : vector<64x1024xf32>
    %slice3A = vector.extract_strided_slice %add3A_92 {offsets = [0, 0], sizes = [8, 1024], strides = [1, 1]} : vector<64x1024xf32> to vector<8x1024xf32>
    %slice3A_93 = vector.extract_strided_slice %add3A_92 {offsets = [8, 0], sizes = [8, 1024], strides = [1, 1]} : vector<64x1024xf32> to vector<8x1024xf32>
    %add3A_94 = arith.addf %slice3A, %slice3A_93 : vector<8x1024xf32>
    %slice3A_95 = vector.extract_strided_slice %add3A_92 {offsets = [16, 0], sizes = [8, 1024], strides = [1, 1]} : vector<64x1024xf32> to vector<8x1024xf32>
    %add3A_96 = arith.addf %add3A_94, %slice3A_95 : vector<8x1024xf32>
    %slice3A_97 = vector.extract_strided_slice %add3A_92 {offsets = [24, 0], sizes = [8, 1024], strides = [1, 1]} : vector<64x1024xf32> to vector<8x1024xf32>
    %add3A_98 = arith.addf %add3A_96, %slice3A_97 : vector<8x1024xf32>
    %slice3A_99 = vector.extract_strided_slice %add3A_92 {offsets = [32, 0], sizes = [8, 1024], strides = [1, 1]} : vector<64x1024xf32> to vector<8x1024xf32>
    %add3A_100 = arith.addf %add3A_98, %slice3A_99 : vector<8x1024xf32>
    %slice3A_101 = vector.extract_strided_slice %add3A_92 {offsets = [40, 0], sizes = [8, 1024], strides = [1, 1]} : vector<64x1024xf32> to vector<8x1024xf32>
    %add3A_102 = arith.addf %add3A_100, %slice3A_101 : vector<8x1024xf32>
    %slice3A_103 = vector.extract_strided_slice %add3A_92 {offsets = [48, 0], sizes = [8, 1024], strides = [1, 1]} : vector<64x1024xf32> to vector<8x1024xf32>
    %add3A_104 = arith.addf %add3A_102, %slice3A_103 : vector<8x1024xf32>
    %slice3A_105 = vector.extract_strided_slice %add3A_92 {offsets = [56, 0], sizes = [8, 1024], strides = [1, 1]} : vector<64x1024xf32> to vector<8x1024xf32>
    %add3A_106 = arith.addf %add3A_104, %slice3A_105 : vector<8x1024xf32>
    %slice3A_107 = vector.extract_strided_slice %add3A_106 {offsets = [0, 0], sizes = [4, 1024], strides = [1, 1]} : vector<8x1024xf32> to vector<4x1024xf32>
    %slice3A_108 = vector.extract_strided_slice %add3A_106 {offsets = [4, 0], sizes = [4, 1024], strides = [1, 1]} : vector<8x1024xf32> to vector<4x1024xf32>
    %add3A_109 = arith.addf %slice3A_107, %slice3A_108 : vector<4x1024xf32>
    %slice3A_110 = vector.extract_strided_slice %add3A_109 {offsets = [0, 0], sizes = [2, 1024], strides = [1, 1]} : vector<4x1024xf32> to vector<2x1024xf32>
    %slice3A_111 = vector.extract_strided_slice %add3A_109 {offsets = [2, 0], sizes = [2, 1024], strides = [1, 1]} : vector<4x1024xf32> to vector<2x1024xf32>
    %add3A_112 = arith.addf %slice3A_110, %slice3A_111 : vector<2x1024xf32>
    %slice3A_113 = vector.extract_strided_slice %add3A_112 {offsets = [0, 0], sizes = [1, 1024], strides = [1, 1]} : vector<2x1024xf32> to vector<1x1024xf32>
    %slice3A_114 = vector.extract_strided_slice %add3A_112 {offsets = [1, 0], sizes = [1, 1024], strides = [1, 1]} : vector<2x1024xf32> to vector<1x1024xf32>
    %add3A_115 = arith.addf %slice3A_113, %slice3A_114 : vector<1x1024xf32>
    %mul3A = arith.constant 9.765625E-4 : f32
    %mul3A_116 = vector.broadcast %mul3A : f32 to vector<1x1024xf32>
    %mul3A_117 = arith.mulf %add3A_115, %mul3A_116 : vector<1x1024xf32>
    %swap3A = arith.constant 0 : index
    %swap3A_118 = arith.constant 0 : index
    %swap3A_119 = vector.load %arg2[%swap3A, %swap3A_118] : memref<1x1024xf32, #tpu.memory_space<vmem>>, vector<1x1024xf32>
    tpu.vector_store %arg2[%swap3A, %swap3A_118], %mul3A_117 {strides = array<i32>} : memref<1x1024xf32, #tpu.memory_space<vmem>>, vector<1x1024xf32>,
    return
  }
  func.func @transform_0(%arg0: i32) -> (i32, i32, i32) {
    %c0_i32 = arith.constant 0 : i32
    %c0_i32_0 = arith.constant 0 : i32
    %c0_i32_1 = arith.constant 0 : i32
    return %c0_i32, %c0_i32_0, %arg0 : i32, i32, i32
  }
  func.func @transform_1(%arg0: i32) -> (i32, i32) {
    %c0_i32 = arith.constant 0 : i32
    %c0_i32_0 = arith.constant 0 : i32
    return %c0_i32, %arg0 : i32, i32
  }
}

module attributes {stable_mosaic.version = 14 : i64} {
  func.func @_argmax_body(%arg0: i32, %arg1: memref<512x256xbf16, #tpu.memory_space<vmem>>, %arg2: memref<4096x256xbf16, #tpu.memory_space<vmem>>, %arg3: memref<512x1xi32, #tpu.memory_space<vmem>>) attributes {dimension_semantics = [#tpu.dimension_semantics<arbitrary>], iteration_bounds = array<i64: 8>, scalar_prefetch = 0 : i64, scratch_operands = 0 : i64, tpu.core_type = #tpu.core_type<tc>, window_params = [{transform_indices = @transform_0, window_bounds = array<i64: 512, 256>}, {pipeline_mode = #tpu.pipeline_mode<synchronous>, transform_indices = @transform_1, window_bounds = array<i64: 4096, 256>}, {transform_indices = @transform_2, window_bounds = array<i64: 512, 1>}]} {
    %get3A = arith.constant 0 : index
    %get3A_0 = arith.constant 0 : index
    %get3A_1 = vector.load %arg1[%get3A, %get3A_0] : memref<512x256xbf16, #tpu.memory_space<vmem>>, vector<512x256xbf16>
    %iota3A = tpu.iota {dimensions = array<i32: 0>} : vector<512x512xi32>
    %convert_element_type3A = arith.sitofp %iota3A : vector<512x512xi32> to vector<512x512xf32>
    %iota3A_2 = tpu.iota {dimensions = array<i32: 1>} : vector<512x512xi32>
    %convert_element_type3A_3 = arith.sitofp %iota3A_2 : vector<512x512xi32> to vector<512x512xf32>
    %mul3A = arith.constant 512 : i32
    %mul3A_4 = arith.muli %arg0, %mul3A : i32
    %convert_element_type3A_5 = arith.sitofp %mul3A_4 : i32 to f32
    %add3A = vector.broadcast %convert_element_type3A_5 : f32 to vector<512x512xf32>
    %add3A_6 = arith.addf %add3A, %convert_element_type3A : vector<512x512xf32>
    %broadcast_in_dim3A = arith.constant 0xFF800000 : f32
    %broadcast_in_dim3A_7 = vector.broadcast %broadcast_in_dim3A : f32 to vector<512x1xf32>
    %broadcast_in_dim3A_8 = arith.constant 0.000000e+00 : f32
    %broadcast_in_dim3A_9 = vector.broadcast %broadcast_in_dim3A_8 : f32 to vector<512x1xf32>
    %while3A = arith.constant 0 : i32
    %while3A_10 = arith.subi %arg0, %while3A : i32
    %while3A_11 = arith.addi %while3A, %while3A_10 : i32
    %while3A_12 = arith.constant 1 : i32
    %while3A_13 = arith.divsi %while3A_10, %while3A_12 : i32
    %while3A_14 = arith.muli %while3A_13, %while3A_12 : i32
    %while3A_15 = arith.addi %while3A, %while3A_14 : i32
    %while3A_16 = arith.constant 1 : i32
    %while3A_17:2 = scf.for %while3A_59 = %while3A to %while3A_15 step %while3A_16 iter_args(%while3A_60 = %broadcast_in_dim3A_7, %while3A_61 = %broadcast_in_dim3A_9) -> (vector<512x1xf32>, vector<512x1xf32>)  : i32 {
      %mul3A_62 = arith.constant 512 : i32
      %mul3A_63 = arith.muli %while3A_59, %mul3A_62 : i32
      %get3A_64 = arith.index_cast %mul3A_63 : i32 to index
      %get3A_65 = arith.constant 0 : index
      %get3A_66 = vector.load %arg2[%get3A_64, %get3A_65] : memref<4096x256xbf16, #tpu.memory_space<vmem>>, vector<512x256xbf16>
      %dot_general3A_67 = arith.constant dense<0.000000e+00> : vector<512x512xf32>
      %dot_general3A_68 = tpu.matmul %get3A_1, %get3A_66, %dot_general3A_67 {dimension_numbers = #tpu.dot_dimension_numbers<[1], [1], [0], [0], [0, 0, 1, 0], [], []>, transpose_lhs_hint = false} : vector<512x256xbf16>, vector<512x256xbf16>, vector<512x512xf32> -> vector<512x512xf32>
      %mul3A_69 = arith.constant 512 : i32
      %mul3A_70 = arith.muli %while3A_59, %mul3A_69 : i32
      %convert_element_type3A_71 = arith.sitofp %mul3A_70 : i32 to f32
      %add3A_72 = vector.broadcast %convert_element_type3A_71 : f32 to vector<512x512xf32>
      %add3A_73 = arith.addf %add3A_72, %convert_element_type3A_3 : vector<512x512xf32>
      %reduce_max3A_74 = arith.constant dense<0xFF800000> : vector<512xf32>
      %reduce_max3A_75 = vector.multi_reduction <maximumf>, %dot_general3A_68, %reduce_max3A_74 [1] : vector<512x512xf32> to vector<512xf32>
      %broadcast_in_dim3A_76 = vector.shape_cast %reduce_max3A_75 : vector<512xf32> to vector<512x1xf32>
      %eq3A_77 = vector.broadcast %broadcast_in_dim3A_76 : vector<512x1xf32> to vector<512x512xf32>
      %eq3A_78 = arith.cmpf oeq, %dot_general3A_68, %eq3A_77 : vector<512x512xf32>
      %jit3A_79 = arith.constant 0x7F800000 : f32
      %broadcast_in_dim3A_80 = vector.broadcast %jit3A_79 : f32 to vector<512x512xf32>
      %select_n3A_81 = arith.select %eq3A_78, %add3A_73, %broadcast_in_dim3A_80 : vector<512x512xi1>, vector<512x512xf32>
      %reduce_min3A_82 = arith.constant dense<0x7F800000> : vector<512xf32>
      %reduce_min3A_83 = vector.multi_reduction <minimumf>, %select_n3A_81, %reduce_min3A_82 [1] : vector<512x512xf32> to vector<512xf32>
      %broadcast_in_dim3A_84 = vector.shape_cast %reduce_min3A_83 : vector<512xf32> to vector<512x1xf32>
      %gt3A_85 = arith.cmpf ogt, %broadcast_in_dim3A_76, %while3A_60 : vector<512x1xf32>
      %select_n3A_86 = arith.select %gt3A_85, %broadcast_in_dim3A_76, %while3A_60 : vector<512x1xi1>, vector<512x1xf32>
      %select_n3A_87 = arith.select %gt3A_85, %broadcast_in_dim3A_84, %while3A_61 : vector<512x1xi1>, vector<512x1xf32>
      scf.yield %select_n3A_86, %select_n3A_87 : vector<512x1xf32>, vector<512x1xf32>
    }
    %while3A_18 = arith.constant 1 : i32
    %while3A_19:2 = scf.for %while3A_59 = %while3A_15 to %while3A_11 step %while3A_18 iter_args(%while3A_60 = %while3A_17#0, %while3A_61 = %while3A_17#1) -> (vector<512x1xf32>, vector<512x1xf32>)  : i32 {
      %mul3A_62 = arith.constant 512 : i32
      %mul3A_63 = arith.muli %while3A_59, %mul3A_62 : i32
      %get3A_64 = arith.index_cast %mul3A_63 : i32 to index
      %get3A_65 = arith.constant 0 : index
      %get3A_66 = vector.load %arg2[%get3A_64, %get3A_65] : memref<4096x256xbf16, #tpu.memory_space<vmem>>, vector<512x256xbf16>
      %dot_general3A_67 = arith.constant dense<0.000000e+00> : vector<512x512xf32>
      %dot_general3A_68 = tpu.matmul %get3A_1, %get3A_66, %dot_general3A_67 {dimension_numbers = #tpu.dot_dimension_numbers<[1], [1], [0], [0], [0, 0, 1, 0], [], []>, transpose_lhs_hint = false} : vector<512x256xbf16>, vector<512x256xbf16>, vector<512x512xf32> -> vector<512x512xf32>
      %mul3A_69 = arith.constant 512 : i32
      %mul3A_70 = arith.muli %while3A_59, %mul3A_69 : i32
      %convert_element_type3A_71 = arith.sitofp %mul3A_70 : i32 to f32
      %add3A_72 = vector.broadcast %convert_element_type3A_71 : f32 to vector<512x512xf32>
      %add3A_73 = arith.addf %add3A_72, %convert_element_type3A_3 : vector<512x512xf32>
      %reduce_max3A_74 = arith.constant dense<0xFF800000> : vector<512xf32>
      %reduce_max3A_75 = vector.multi_reduction <maximumf>, %dot_general3A_68, %reduce_max3A_74 [1] : vector<512x512xf32> to vector<512xf32>
      %broadcast_in_dim3A_76 = vector.shape_cast %reduce_max3A_75 : vector<512xf32> to vector<512x1xf32>
      %eq3A_77 = vector.broadcast %broadcast_in_dim3A_76 : vector<512x1xf32> to vector<512x512xf32>
      %eq3A_78 = arith.cmpf oeq, %dot_general3A_68, %eq3A_77 : vector<512x512xf32>
      %jit3A_79 = arith.constant 0x7F800000 : f32
      %broadcast_in_dim3A_80 = vector.broadcast %jit3A_79 : f32 to vector<512x512xf32>
      %select_n3A_81 = arith.select %eq3A_78, %add3A_73, %broadcast_in_dim3A_80 : vector<512x512xi1>, vector<512x512xf32>
      %reduce_min3A_82 = arith.constant dense<0x7F800000> : vector<512xf32>
      %reduce_min3A_83 = vector.multi_reduction <minimumf>, %select_n3A_81, %reduce_min3A_82 [1] : vector<512x512xf32> to vector<512xf32>
      %broadcast_in_dim3A_84 = vector.shape_cast %reduce_min3A_83 : vector<512xf32> to vector<512x1xf32>
      %gt3A_85 = arith.cmpf ogt, %broadcast_in_dim3A_76, %while3A_60 : vector<512x1xf32>
      %select_n3A_86 = arith.select %gt3A_85, %broadcast_in_dim3A_76, %while3A_60 : vector<512x1xi1>, vector<512x1xf32>
      %select_n3A_87 = arith.select %gt3A_85, %broadcast_in_dim3A_84, %while3A_61 : vector<512x1xi1>, vector<512x1xf32>
      scf.yield %select_n3A_86, %select_n3A_87 : vector<512x1xf32>, vector<512x1xf32>
    }
    %mul3A_20 = arith.constant 512 : i32
    %mul3A_21 = arith.muli %arg0, %mul3A_20 : i32
    %get3A_22 = arith.index_cast %mul3A_21 : i32 to index
    %get3A_23 = arith.constant 0 : index
    %get3A_24 = vector.load %arg2[%get3A_22, %get3A_23] : memref<4096x256xbf16, #tpu.memory_space<vmem>>, vector<512x256xbf16>
    %dot_general3A = arith.constant dense<0.000000e+00> : vector<512x512xf32>
    %dot_general3A_25 = tpu.matmul %get3A_1, %get3A_24, %dot_general3A {dimension_numbers = #tpu.dot_dimension_numbers<[1], [1], [0], [0], [0, 0, 1, 0], [], []>, transpose_lhs_hint = false} : vector<512x256xbf16>, vector<512x256xbf16>, vector<512x512xf32> -> vector<512x512xf32>
    %mul3A_26 = arith.constant 512 : i32
    %mul3A_27 = arith.muli %arg0, %mul3A_26 : i32
    %convert_element_type3A_28 = arith.sitofp %mul3A_27 : i32 to f32
    %add3A_29 = vector.broadcast %convert_element_type3A_28 : f32 to vector<512x512xf32>
    %add3A_30 = arith.addf %add3A_29, %convert_element_type3A_3 : vector<512x512xf32>
    %eq3A = arith.cmpf oeq, %add3A_6, %add3A_30 : vector<512x512xf32>
    %jit3A = arith.constant 0.000000e+00 : f32
    %broadcast_in_dim3A_31 = vector.broadcast %jit3A : f32 to vector<512x512xf32>
    %select_n3A = arith.select %eq3A, %broadcast_in_dim3A_31, %dot_general3A_25 : vector<512x512xi1>, vector<512x512xf32>
    %reduce_max3A = arith.constant dense<0xFF800000> : vector<512xf32>
    %reduce_max3A_32 = vector.multi_reduction <maximumf>, %select_n3A, %reduce_max3A [1] : vector<512x512xf32> to vector<512xf32>
    %broadcast_in_dim3A_33 = vector.shape_cast %reduce_max3A_32 : vector<512xf32> to vector<512x1xf32>
    %eq3A_34 = vector.broadcast %broadcast_in_dim3A_33 : vector<512x1xf32> to vector<512x512xf32>
    %eq3A_35 = arith.cmpf oeq, %select_n3A, %eq3A_34 : vector<512x512xf32>
    %jit3A_36 = arith.constant 0x7F800000 : f32
    %broadcast_in_dim3A_37 = vector.broadcast %jit3A_36 : f32 to vector<512x512xf32>
    %select_n3A_38 = arith.select %eq3A_35, %add3A_30, %broadcast_in_dim3A_37 : vector<512x512xi1>, vector<512x512xf32>
    %reduce_min3A = arith.constant dense<0x7F800000> : vector<512xf32>
    %reduce_min3A_39 = vector.multi_reduction <minimumf>, %select_n3A_38, %reduce_min3A [1] : vector<512x512xf32> to vector<512xf32>
    %broadcast_in_dim3A_40 = vector.shape_cast %reduce_min3A_39 : vector<512xf32> to vector<512x1xf32>
    %gt3A = arith.cmpf ogt, %broadcast_in_dim3A_33, %while3A_19#0 : vector<512x1xf32>
    %select_n3A_41 = arith.select %gt3A, %broadcast_in_dim3A_33, %while3A_19#0 : vector<512x1xi1>, vector<512x1xf32>
    %select_n3A_42 = arith.select %gt3A, %broadcast_in_dim3A_40, %while3A_19#1 : vector<512x1xi1>, vector<512x1xf32>
    %add3A_43 = arith.constant 1 : i32
    %add3A_44 = arith.addi %arg0, %add3A_43 : i32
    %while3A_45 = arith.constant 8 : i32
    %while3A_46 = arith.subi %while3A_45, %add3A_44 : i32
    %while3A_47 = arith.addi %add3A_44, %while3A_46 : i32
    %while3A_48 = arith.constant 1 : i32
    %while3A_49 = arith.divsi %while3A_46, %while3A_48 : i32
    %while3A_50 = arith.muli %while3A_49, %while3A_48 : i32
    %while3A_51 = arith.addi %add3A_44, %while3A_50 : i32
    %while3A_52 = arith.constant 1 : i32
    %while3A_53:2 = scf.for %while3A_59 = %add3A_44 to %while3A_51 step %while3A_52 iter_args(%while3A_60 = %select_n3A_41, %while3A_61 = %select_n3A_42) -> (vector<512x1xf32>, vector<512x1xf32>)  : i32 {
      %mul3A_62 = arith.constant 512 : i32
      %mul3A_63 = arith.muli %while3A_59, %mul3A_62 : i32
      %get3A_64 = arith.index_cast %mul3A_63 : i32 to index
      %get3A_65 = arith.constant 0 : index
      %get3A_66 = vector.load %arg2[%get3A_64, %get3A_65] : memref<4096x256xbf16, #tpu.memory_space<vmem>>, vector<512x256xbf16>
      %dot_general3A_67 = arith.constant dense<0.000000e+00> : vector<512x512xf32>
      %dot_general3A_68 = tpu.matmul %get3A_1, %get3A_66, %dot_general3A_67 {dimension_numbers = #tpu.dot_dimension_numbers<[1], [1], [0], [0], [0, 0, 1, 0], [], []>, transpose_lhs_hint = false} : vector<512x256xbf16>, vector<512x256xbf16>, vector<512x512xf32> -> vector<512x512xf32>
      %mul3A_69 = arith.constant 512 : i32
      %mul3A_70 = arith.muli %while3A_59, %mul3A_69 : i32
      %convert_element_type3A_71 = arith.sitofp %mul3A_70 : i32 to f32
      %add3A_72 = vector.broadcast %convert_element_type3A_71 : f32 to vector<512x512xf32>
      %add3A_73 = arith.addf %add3A_72, %convert_element_type3A_3 : vector<512x512xf32>
      %reduce_max3A_74 = arith.constant dense<0xFF800000> : vector<512xf32>
      %reduce_max3A_75 = vector.multi_reduction <maximumf>, %dot_general3A_68, %reduce_max3A_74 [1] : vector<512x512xf32> to vector<512xf32>
      %broadcast_in_dim3A_76 = vector.shape_cast %reduce_max3A_75 : vector<512xf32> to vector<512x1xf32>
      %eq3A_77 = vector.broadcast %broadcast_in_dim3A_76 : vector<512x1xf32> to vector<512x512xf32>
      %eq3A_78 = arith.cmpf oeq, %dot_general3A_68, %eq3A_77 : vector<512x512xf32>
      %jit3A_79 = arith.constant 0x7F800000 : f32
      %broadcast_in_dim3A_80 = vector.broadcast %jit3A_79 : f32 to vector<512x512xf32>
      %select_n3A_81 = arith.select %eq3A_78, %add3A_73, %broadcast_in_dim3A_80 : vector<512x512xi1>, vector<512x512xf32>
      %reduce_min3A_82 = arith.constant dense<0x7F800000> : vector<512xf32>
      %reduce_min3A_83 = vector.multi_reduction <minimumf>, %select_n3A_81, %reduce_min3A_82 [1] : vector<512x512xf32> to vector<512xf32>
      %broadcast_in_dim3A_84 = vector.shape_cast %reduce_min3A_83 : vector<512xf32> to vector<512x1xf32>
      %gt3A_85 = arith.cmpf ogt, %broadcast_in_dim3A_76, %while3A_60 : vector<512x1xf32>
      %select_n3A_86 = arith.select %gt3A_85, %broadcast_in_dim3A_76, %while3A_60 : vector<512x1xi1>, vector<512x1xf32>
      %select_n3A_87 = arith.select %gt3A_85, %broadcast_in_dim3A_84, %while3A_61 : vector<512x1xi1>, vector<512x1xf32>
      scf.yield %select_n3A_86, %select_n3A_87 : vector<512x1xf32>, vector<512x1xf32>
    }
    %while3A_54 = arith.constant 1 : i32
    %while3A_55:2 = scf.for %while3A_59 = %while3A_51 to %while3A_47 step %while3A_54 iter_args(%while3A_60 = %while3A_53#0, %while3A_61 = %while3A_53#1) -> (vector<512x1xf32>, vector<512x1xf32>)  : i32 {
      %mul3A_62 = arith.constant 512 : i32
      %mul3A_63 = arith.muli %while3A_59, %mul3A_62 : i32
      %get3A_64 = arith.index_cast %mul3A_63 : i32 to index
      %get3A_65 = arith.constant 0 : index
      %get3A_66 = vector.load %arg2[%get3A_64, %get3A_65] : memref<4096x256xbf16, #tpu.memory_space<vmem>>, vector<512x256xbf16>
      %dot_general3A_67 = arith.constant dense<0.000000e+00> : vector<512x512xf32>
      %dot_general3A_68 = tpu.matmul %get3A_1, %get3A_66, %dot_general3A_67 {dimension_numbers = #tpu.dot_dimension_numbers<[1], [1], [0], [0], [0, 0, 1, 0], [], []>, transpose_lhs_hint = false} : vector<512x256xbf16>, vector<512x256xbf16>, vector<512x512xf32> -> vector<512x512xf32>
      %mul3A_69 = arith.constant 512 : i32
      %mul3A_70 = arith.muli %while3A_59, %mul3A_69 : i32
      %convert_element_type3A_71 = arith.sitofp %mul3A_70 : i32 to f32
      %add3A_72 = vector.broadcast %convert_element_type3A_71 : f32 to vector<512x512xf32>
      %add3A_73 = arith.addf %add3A_72, %convert_element_type3A_3 : vector<512x512xf32>
      %reduce_max3A_74 = arith.constant dense<0xFF800000> : vector<512xf32>
      %reduce_max3A_75 = vector.multi_reduction <maximumf>, %dot_general3A_68, %reduce_max3A_74 [1] : vector<512x512xf32> to vector<512xf32>
      %broadcast_in_dim3A_76 = vector.shape_cast %reduce_max3A_75 : vector<512xf32> to vector<512x1xf32>
      %eq3A_77 = vector.broadcast %broadcast_in_dim3A_76 : vector<512x1xf32> to vector<512x512xf32>
      %eq3A_78 = arith.cmpf oeq, %dot_general3A_68, %eq3A_77 : vector<512x512xf32>
      %jit3A_79 = arith.constant 0x7F800000 : f32
      %broadcast_in_dim3A_80 = vector.broadcast %jit3A_79 : f32 to vector<512x512xf32>
      %select_n3A_81 = arith.select %eq3A_78, %add3A_73, %broadcast_in_dim3A_80 : vector<512x512xi1>, vector<512x512xf32>
      %reduce_min3A_82 = arith.constant dense<0x7F800000> : vector<512xf32>
      %reduce_min3A_83 = vector.multi_reduction <minimumf>, %select_n3A_81, %reduce_min3A_82 [1] : vector<512x512xf32> to vector<512xf32>
      %broadcast_in_dim3A_84 = vector.shape_cast %reduce_min3A_83 : vector<512xf32> to vector<512x1xf32>
      %gt3A_85 = arith.cmpf ogt, %broadcast_in_dim3A_76, %while3A_60 : vector<512x1xf32>
      %select_n3A_86 = arith.select %gt3A_85, %broadcast_in_dim3A_76, %while3A_60 : vector<512x1xi1>, vector<512x1xf32>
      %select_n3A_87 = arith.select %gt3A_85, %broadcast_in_dim3A_84, %while3A_61 : vector<512x1xi1>, vector<512x1xf32>
      scf.yield %select_n3A_86, %select_n3A_87 : vector<512x1xf32>, vector<512x1xf32>
    }
    %convert_element_type3A_56 = arith.fptosi %while3A_55#1 : vector<512x1xf32> to vector<512x1xi32>
    %swap3A = arith.constant 0 : index
    %swap3A_57 = arith.constant 0 : index
    %swap3A_58 = vector.load %arg3[%swap3A, %swap3A_57] : memref<512x1xi32, #tpu.memory_space<vmem>>, vector<512x1xi32>
    tpu.vector_store %arg3[%swap3A, %swap3A_57], %convert_element_type3A_56 {strides = array<i32>} : memref<512x1xi32, #tpu.memory_space<vmem>>, vector<512x1xi32>,
    return
  }
  func.func @transform_0(%arg0: i32) -> (i32, i32) {
    %c0_i32 = arith.constant 0 : i32
    %c0_i32_0 = arith.constant 0 : i32
    return %arg0, %c0_i32 : i32, i32
  }
  func.func @transform_1(%arg0: i32) -> (i32, i32) {
    %c0_i32 = arith.constant 0 : i32
    %c0_i32_0 = arith.constant 0 : i32
    %c0_i32_1 = arith.constant 0 : i32
    return %c0_i32, %c0_i32_0 : i32, i32
  }
  func.func @transform_2(%arg0: i32) -> (i32, i32) {
    %c0_i32 = arith.constant 0 : i32
    %c0_i32_0 = arith.constant 0 : i32
    return %arg0, %c0_i32 : i32, i32
  }
}

module attributes {stable_mosaic.version = 14 : i64} {
  func.func @_inatten_body(%arg0: i32, %arg1: memref<1024x1xf32, #tpu.memory_space<vmem>>, %arg2: memref<1024x256xf32, #tpu.memory_space<vmem>>, %arg3: memref<1x256xf32, #tpu.memory_space<vmem>>) attributes {dimension_semantics = [#tpu.dimension_semantics<arbitrary>], iteration_bounds = array<i64: 8>, scalar_prefetch = 0 : i64, scratch_operands = 0 : i64, tpu.core_type = #tpu.core_type<tc>, window_params = [{transform_indices = @transform_0, window_bounds = array<i64: 1024, 1>}, {transform_indices = @transform_1, window_bounds = array<i64: 1024, 256>}, {pipeline_mode = #tpu.pipeline_mode<synchronous>, transform_indices = @transform_2, window_bounds = array<i64: 1, 256>}]} {
    %get3A = arith.constant 0 : index
    %get3A_0 = arith.constant 0 : index
    %get3A_1 = vector.load %arg2[%get3A, %get3A_0] : memref<1024x256xf32, #tpu.memory_space<vmem>>, vector<1024x256xf32>
    %get3A_2 = arith.constant 0 : index
    %get3A_3 = arith.constant 0 : index
    %get3A_4 = vector.load %arg1[%get3A_2, %get3A_3] : memref<1024x1xf32, #tpu.memory_space<vmem>>, vector<1024x1xf32>
    %mul3A = vector.broadcast %get3A_4 : vector<1024x1xf32> to vector<1024x256xf32>
    %mul3A_5 = arith.mulf %get3A_1, %mul3A : vector<1024x256xf32>
    %reduce_sum3A = arith.constant dense<0.000000e+00> : vector<256xf32>
    %reduce_sum3A_6 = vector.multi_reduction <add>, %mul3A_5, %reduce_sum3A [0] : vector<1024x256xf32> to vector<256xf32>
    %broadcast_in_dim3A = vector.shape_cast %reduce_sum3A_6 : vector<256xf32> to vector<1x256xf32>
    %eq3A = arith.constant 0 : i32
    %eq3A_7 = arith.cmpi eq, %arg0, %eq3A : i32
    %convert_element_type3A = arith.extui %eq3A_7 : i1 to i32
    %cond3A = arith.constant 0 : i32
    %cond3A_8 = arith.cmpi ne, %convert_element_type3A, %cond3A : i32
    scf.if %cond3A_8 {
      %broadcast_in_dim3A_14 = arith.constant 0.000000e+00 : f32
      %broadcast_in_dim3A_15 = vector.broadcast %broadcast_in_dim3A_14 : f32 to vector<1x256xf32>
      %swap3A_16 = arith.constant 0 : index
      %swap3A_17 = arith.constant 0 : index
      %swap3A_18 = vector.load %arg3[%swap3A_16, %swap3A_17] : memref<1x256xf32, #tpu.memory_space<vmem>>, vector<1x256xf32>
      tpu.vector_store %arg3[%swap3A_16, %swap3A_17], %broadcast_in_dim3A_15 {strides = array<i32>} : memref<1x256xf32, #tpu.memory_space<vmem>>, vector<1x256xf32>,
    } else {
    }
    %get3A_9 = arith.constant 0 : index
    %get3A_10 = arith.constant 0 : index
    %get3A_11 = vector.load %arg3[%get3A_9, %get3A_10] : memref<1x256xf32, #tpu.memory_space<vmem>>, vector<1x256xf32>
    %add3A = arith.addf %get3A_11, %broadcast_in_dim3A : vector<1x256xf32>
    %swap3A = arith.constant 0 : index
    %swap3A_12 = arith.constant 0 : index
    %swap3A_13 = vector.load %arg3[%swap3A, %swap3A_12] : memref<1x256xf32, #tpu.memory_space<vmem>>, vector<1x256xf32>
    tpu.vector_store %arg3[%swap3A, %swap3A_12], %add3A {strides = array<i32>} : memref<1x256xf32, #tpu.memory_space<vmem>>, vector<1x256xf32>,
    return
  }
  func.func @transform_0(%arg0: i32) -> (i32, i32) {
    %c0_i32 = arith.constant 0 : i32
    %c0_i32_0 = arith.constant 0 : i32
    return %arg0, %c0_i32 : i32, i32
  }
  func.func @transform_1(%arg0: i32) -> (i32, i32) {
    %c0_i32 = arith.constant 0 : i32
    %c0_i32_0 = arith.constant 0 : i32
    return %arg0, %c0_i32 : i32, i32
  }
  func.func @transform_2(%arg0: i32) -> (i32, i32) {
    %c0_i32 = arith.constant 0 : i32
    %c0_i32_0 = arith.constant 0 : i32
    %c0_i32_1 = arith.constant 0 : i32
    return %c0_i32, %c0_i32_0 : i32, i32
  }
}

module attributes {stable_mosaic.version = 14 : i64} {
  func.func @_assemble_body(%arg0: i32, %arg1: memref<512x256xf32, #tpu.memory_space<vmem>>, %arg2: memref<512x256xf32, #tpu.memory_space<vmem>>, %arg3: memref<512x256xf32, #tpu.memory_space<vmem>>, %arg4: memref<512x256xf32, #tpu.memory_space<vmem>>, %arg5: memref<512x256xf32, #tpu.memory_space<vmem>>, %arg6: memref<512x256xf32, #tpu.memory_space<vmem>>, %arg7: memref<1x256xf32, #tpu.memory_space<vmem>>, %arg8: memref<1x256xf32, #tpu.memory_space<vmem>>, %arg9: memref<512x256xf32, #tpu.memory_space<vmem>>) attributes {dimension_semantics = [#tpu.dimension_semantics<arbitrary>], iteration_bounds = array<i64: 17>, scalar_prefetch = 0 : i64, scratch_operands = 0 : i64, tpu.core_type = #tpu.core_type<tc>, window_params = [{transform_indices = @transform_0, window_bounds = array<i64: 512, 256>}, {transform_indices = @transform_1, window_bounds = array<i64: 512, 256>}, {transform_indices = @transform_2, window_bounds = array<i64: 512, 256>}, {transform_indices = @transform_3, window_bounds = array<i64: 512, 256>}, {transform_indices = @transform_4, window_bounds = array<i64: 512, 256>}, {transform_indices = @transform_5, window_bounds = array<i64: 512, 256>}, {pipeline_mode = #tpu.pipeline_mode<synchronous>, transform_indices = @transform_6, window_bounds = array<i64: 1, 256>}, {pipeline_mode = #tpu.pipeline_mode<synchronous>, transform_indices = @transform_7, window_bounds = array<i64: 1, 256>}, {transform_indices = @transform_8, window_bounds = array<i64: 512, 256>}]} {
    %eq3A = arith.constant 0 : i32
    %eq3A_0 = arith.cmpi eq, %arg0, %eq3A : i32
    %convert_element_type3A = arith.extui %eq3A_0 : i1 to i32
    %cond3A = arith.constant 0 : i32
    %cond3A_1 = arith.cmpi ne, %convert_element_type3A, %cond3A : i32
    scf.if %cond3A_1 {
      %get3A = arith.constant 0 : index
      %get3A_17 = arith.constant 0 : index
      %get3A_18 = vector.load %arg7[%get3A, %get3A_17] : memref<1x256xf32, #tpu.memory_space<vmem>>, vector<1x256xf32>
      %get3A_19 = arith.constant 0 : index
      %get3A_20 = arith.constant 0 : index
      %get3A_21 = vector.load %arg8[%get3A_19, %get3A_20] : memref<1x256xf32, #tpu.memory_space<vmem>>, vector<1x256xf32>
      %sub3A = arith.subf %get3A_18, %get3A_21 : vector<1x256xf32>
      %get3A_22 = arith.constant 0 : index
      %get3A_23 = arith.constant 0 : index
      %get3A_24 = vector.load %arg2[%get3A_22, %get3A_23] : memref<512x256xf32, #tpu.memory_space<vmem>>, vector<511x256xf32>
      %concatenate3A = tpu.concatenate %sub3A, %get3A_24 in 0 : vector<1x256xf32>, vector<511x256xf32> -> vector<512x256xf32>
      %swap3A = arith.constant 0 : index
      %swap3A_25 = arith.constant 0 : index
      %swap3A_26 = vector.load %arg9[%swap3A, %swap3A_25] : memref<512x256xf32, #tpu.memory_space<vmem>>, vector<512x256xf32>
      tpu.vector_store %arg9[%swap3A, %swap3A_25], %concatenate3A {strides = array<i32>} : memref<512x256xf32, #tpu.memory_space<vmem>>, vector<512x256xf32>,
    } else {
    }
    %ge3A = arith.constant 1 : i32
    %ge3A_2 = arith.cmpi sge, %arg0, %ge3A : i32
    %le3A = arith.constant 7 : i32
    %le3A_3 = arith.cmpi sle, %arg0, %le3A : i32
    %and3A = arith.andi %ge3A_2, %le3A_3 : i1
    %convert_element_type3A_4 = arith.extui %and3A : i1 to i32
    %cond3A_5 = arith.constant 0 : i32
    %cond3A_6 = arith.cmpi ne, %convert_element_type3A_4, %cond3A_5 : i32
    scf.if %cond3A_6 {
      %get3A = arith.constant 511 : index
      %get3A_17 = arith.constant 0 : index
      %get3A_18 = vector.load %arg1[%get3A, %get3A_17] : memref<512x256xf32, #tpu.memory_space<vmem>>, vector<1x256xf32>
      %get3A_19 = arith.constant 0 : index
      %get3A_20 = arith.constant 0 : index
      %get3A_21 = vector.load %arg2[%get3A_19, %get3A_20] : memref<512x256xf32, #tpu.memory_space<vmem>>, vector<511x256xf32>
      %concatenate3A = tpu.concatenate %get3A_18, %get3A_21 in 0 : vector<1x256xf32>, vector<511x256xf32> -> vector<512x256xf32>
      %swap3A = arith.constant 0 : index
      %swap3A_22 = arith.constant 0 : index
      %swap3A_23 = vector.load %arg9[%swap3A, %swap3A_22] : memref<512x256xf32, #tpu.memory_space<vmem>>, vector<512x256xf32>
      tpu.vector_store %arg9[%swap3A, %swap3A_22], %concatenate3A {strides = array<i32>} : memref<512x256xf32, #tpu.memory_space<vmem>>, vector<512x256xf32>,
    } else {
    }
    %eq3A_7 = arith.constant 8 : i32
    %eq3A_8 = arith.cmpi eq, %arg0, %eq3A_7 : i32
    %convert_element_type3A_9 = arith.extui %eq3A_8 : i1 to i32
    %cond3A_10 = arith.constant 0 : i32
    %cond3A_11 = arith.cmpi ne, %convert_element_type3A_9, %cond3A_10 : i32
    scf.if %cond3A_11 {
      %get3A = arith.constant 0 : index
      %get3A_17 = arith.constant 0 : index
      %get3A_18 = vector.load %arg5[%get3A, %get3A_17] : memref<512x256xf32, #tpu.memory_space<vmem>>, vector<511x256xf32>
      %mul3A = arith.constant 5.000000e-01 : f32
      %mul3A_19 = vector.broadcast %mul3A : f32 to vector<511x256xf32>
      %mul3A_20 = arith.mulf %mul3A_19, %get3A_18 : vector<511x256xf32>
      %get3A_21 = arith.constant 0 : index
      %get3A_22 = arith.constant 0 : index
      %get3A_23 = vector.load %arg6[%get3A_21, %get3A_22] : memref<512x256xf32, #tpu.memory_space<vmem>>, vector<511x256xf32>
      %mul3A_24 = arith.constant 5.000000e-01 : f32
      %mul3A_25 = vector.broadcast %mul3A_24 : f32 to vector<511x256xf32>
      %mul3A_26 = arith.mulf %mul3A_25, %get3A_23 : vector<511x256xf32>
      %add3A = arith.addf %mul3A_20, %mul3A_26 : vector<511x256xf32>
      %get3A_27 = arith.constant 511 : index
      %get3A_28 = arith.constant 0 : index
      %get3A_29 = vector.load %arg1[%get3A_27, %get3A_28] : memref<512x256xf32, #tpu.memory_space<vmem>>, vector<1x256xf32>
      %concatenate3A = tpu.concatenate %get3A_29, %add3A in 0 : vector<1x256xf32>, vector<511x256xf32> -> vector<512x256xf32>
      %swap3A = arith.constant 0 : index
      %swap3A_30 = arith.constant 0 : index
      %swap3A_31 = vector.load %arg9[%swap3A, %swap3A_30] : memref<512x256xf32, #tpu.memory_space<vmem>>, vector<512x256xf32>
      tpu.vector_store %arg9[%swap3A, %swap3A_30], %concatenate3A {strides = array<i32>} : memref<512x256xf32, #tpu.memory_space<vmem>>, vector<512x256xf32>,
    } else {
    }
    %ge3A_12 = arith.constant 9 : i32
    %ge3A_13 = arith.cmpi sge, %arg0, %ge3A_12 : i32
    %convert_element_type3A_14 = arith.extui %ge3A_13 : i1 to i32
    %cond3A_15 = arith.constant 0 : i32
    %cond3A_16 = arith.cmpi ne, %convert_element_type3A_14, %cond3A_15 : i32
    scf.if %cond3A_16 {
      %get3A = arith.constant 511 : index
      %get3A_17 = arith.constant 0 : index
      %get3A_18 = vector.load %arg3[%get3A, %get3A_17] : memref<512x256xf32, #tpu.memory_space<vmem>>, vector<1x256xf32>
      %mul3A = arith.constant 5.000000e-01 : f32
      %mul3A_19 = vector.broadcast %mul3A : f32 to vector<1x256xf32>
      %mul3A_20 = arith.mulf %mul3A_19, %get3A_18 : vector<1x256xf32>
      %get3A_21 = arith.constant 511 : index
      %get3A_22 = arith.constant 0 : index
      %get3A_23 = vector.load %arg4[%get3A_21, %get3A_22] : memref<512x256xf32, #tpu.memory_space<vmem>>, vector<1x256xf32>
      %mul3A_24 = arith.constant 5.000000e-01 : f32
      %mul3A_25 = vector.broadcast %mul3A_24 : f32 to vector<1x256xf32>
      %mul3A_26 = arith.mulf %mul3A_25, %get3A_23 : vector<1x256xf32>
      %add3A = arith.addf %mul3A_20, %mul3A_26 : vector<1x256xf32>
      %get3A_27 = arith.constant 0 : index
      %get3A_28 = arith.constant 0 : index
      %get3A_29 = vector.load %arg5[%get3A_27, %get3A_28] : memref<512x256xf32, #tpu.memory_space<vmem>>, vector<511x256xf32>
      %mul3A_30 = arith.constant 5.000000e-01 : f32
      %mul3A_31 = vector.broadcast %mul3A_30 : f32 to vector<511x256xf32>
      %mul3A_32 = arith.mulf %mul3A_31, %get3A_29 : vector<511x256xf32>
      %get3A_33 = arith.constant 0 : index
      %get3A_34 = arith.constant 0 : index
      %get3A_35 = vector.load %arg6[%get3A_33, %get3A_34] : memref<512x256xf32, #tpu.memory_space<vmem>>, vector<511x256xf32>
      %mul3A_36 = arith.constant 5.000000e-01 : f32
      %mul3A_37 = vector.broadcast %mul3A_36 : f32 to vector<511x256xf32>
      %mul3A_38 = arith.mulf %mul3A_37, %get3A_35 : vector<511x256xf32>
      %add3A_39 = arith.addf %mul3A_32, %mul3A_38 : vector<511x256xf32>
      %concatenate3A = tpu.concatenate %add3A, %add3A_39 in 0 : vector<1x256xf32>, vector<511x256xf32> -> vector<512x256xf32>
      %swap3A = arith.constant 0 : index
      %swap3A_40 = arith.constant 0 : index
      %swap3A_41 = vector.load %arg9[%swap3A, %swap3A_40] : memref<512x256xf32, #tpu.memory_space<vmem>>, vector<512x256xf32>
      tpu.vector_store %arg9[%swap3A, %swap3A_40], %concatenate3A {strides = array<i32>} : memref<512x256xf32, #tpu.memory_space<vmem>>, vector<512x256xf32>,
    } else {
    }
    return
  }
  func.func @transform_0(%arg0: i32) -> (i32, i32) {
    %sub3A = arith.constant 1 : i32
    %sub3A_0 = arith.subi %arg0, %sub3A : i32
    %max3A = arith.constant 0 : i32
    %max3A_1 = arith.maxsi %sub3A_0, %max3A : i32
    %min3A = arith.constant 7 : i32
    %min3A_2 = arith.minsi %max3A_1, %min3A : i32
    %c0_i32 = arith.constant 0 : i32
    %c0_i32_3 = arith.constant 0 : i32
    return %min3A_2, %c0_i32 : i32, i32
  }
  func.func @transform_1(%arg0: i32) -> (i32, i32) {
    %max3A = arith.constant 0 : i32
    %max3A_0 = arith.maxsi %arg0, %max3A : i32
    %min3A = arith.constant 7 : i32
    %min3A_1 = arith.minsi %max3A_0, %min3A : i32
    %c0_i32 = arith.constant 0 : i32
    %c0_i32_2 = arith.constant 0 : i32
    return %min3A_1, %c0_i32 : i32, i32
  }
  func.func @transform_2(%arg0: i32) -> (i32, i32) {
    %sub3A = arith.constant 8 : i32
    %sub3A_0 = arith.subi %arg0, %sub3A : i32
    %sub3A_1 = arith.constant 1 : i32
    %sub3A_2 = arith.subi %sub3A_0, %sub3A_1 : i32
    %max3A = arith.constant 0 : i32
    %max3A_3 = arith.maxsi %sub3A_2, %max3A : i32
    %min3A = arith.constant 7 : i32
    %min3A_4 = arith.minsi %max3A_3, %min3A : i32
    %c0_i32 = arith.constant 0 : i32
    %c0_i32_5 = arith.constant 0 : i32
    return %min3A_4, %c0_i32 : i32, i32
  }
  func.func @transform_3(%arg0: i32) -> (i32, i32) {
    %sub3A = arith.constant 8 : i32
    %sub3A_0 = arith.subi %arg0, %sub3A : i32
    %sub3A_1 = arith.constant 1 : i32
    %sub3A_2 = arith.subi %sub3A_0, %sub3A_1 : i32
    %max3A = arith.constant 0 : i32
    %max3A_3 = arith.maxsi %sub3A_2, %max3A : i32
    %min3A = arith.constant 7 : i32
    %min3A_4 = arith.minsi %max3A_3, %min3A : i32
    %c0_i32 = arith.constant 0 : i32
    %c0_i32_5 = arith.constant 0 : i32
    return %min3A_4, %c0_i32 : i32, i32
  }
  func.func @transform_4(%arg0: i32) -> (i32, i32) {
    %sub3A = arith.constant 8 : i32
    %sub3A_0 = arith.subi %arg0, %sub3A : i32
    %max3A = arith.constant 0 : i32
    %max3A_1 = arith.maxsi %sub3A_0, %max3A : i32
    %min3A = arith.constant 7 : i32
    %min3A_2 = arith.minsi %max3A_1, %min3A : i32
    %c0_i32 = arith.constant 0 : i32
    %c0_i32_3 = arith.constant 0 : i32
    return %min3A_2, %c0_i32 : i32, i32
  }
  func.func @transform_5(%arg0: i32) -> (i32, i32) {
    %sub3A = arith.constant 8 : i32
    %sub3A_0 = arith.subi %arg0, %sub3A : i32
    %max3A = arith.constant 0 : i32
    %max3A_1 = arith.maxsi %sub3A_0, %max3A : i32
    %min3A = arith.constant 7 : i32
    %min3A_2 = arith.minsi %max3A_1, %min3A : i32
    %c0_i32 = arith.constant 0 : i32
    %c0_i32_3 = arith.constant 0 : i32
    return %min3A_2, %c0_i32 : i32, i32
  }
  func.func @transform_6(%arg0: i32) -> (i32, i32) {
    %c0_i32 = arith.constant 0 : i32
    %c0_i32_0 = arith.constant 0 : i32
    %c0_i32_1 = arith.constant 0 : i32
    return %c0_i32, %c0_i32_0 : i32, i32
  }
  func.func @transform_7(%arg0: i32) -> (i32, i32) {
    %c0_i32 = arith.constant 0 : i32
    %c0_i32_0 = arith.constant 0 : i32
    %c0_i32_1 = arith.constant 0 : i32
    return %c0_i32, %c0_i32_0 : i32, i32
  }
  func.func @transform_8(%arg0: i32) -> (i32, i32) {
    %c0_i32 = arith.constant 0 : i32
    %c0_i32_0 = arith.constant 0 : i32
    return %arg0, %c0_i32 : i32, i32
  }
}

</mosaic_0001>

<sc_bundles>
// kernel: kernel.10.cloned.1.call-start
scs
__scs_entry_jumppad:
0x0: {  	(pc) =	sbr.rel $0x88, $3  }
0x1: {  	(tag) =	ssettag $0x0;
	lr =	simm.s32 $0x1  }
0x2: {  	[smem:$0x3F9F] =	sst lr;
	_ =	strace $0xD0000000  }
0x3: {  	_ = 	snop  }
0x4: {  	_ = 	snop  }
0x5: {  	_ = 	snop  }
0x6: {  	_ = 	snop  }
0x7: {  	_ = 	snop  }
__scs_overlays_trampoline_lowered:
0x8: {  	[smem:$0x3FAE] =	sst s0  }
0x9: {  	[smem:$0x3FAF] =	sst s1  }
0xa: {  	[smem:$0x3FB0] =	sst s2  }
0xb: {  	[smem:$0x3FB1] =	sst s3  }
0xc: {  	[smem:$0x3FB2] =	sst s4  }
0xd: {  	[smem:$0x3FB3] =	sst s5  }
0xe: {  	[smem:$0x3FB4] =	sst s6  }
0xf: {  	[smem:$0x3FB5] =	sst s7  }
0x10: {  	[smem:$0x3FB6] =	sst s8  }
0x11: {  	[smem:$0x3FB7] =	sst s9;
	s0 =	simm.s32 @!p0 $0x0  }
0x12: {  	s1 =	sld [smem:$0x3F9D];
	s0 =	simm.s32 @p0 $0x1  }
0x13: {  	[smem:$0x3FB8] =	sst s0;
	s0 =	simm.s32 @!p1 $0x0  }
0x14: {  	s2 =	sld [smem:$0x3F9C];
	s0 =	simm.s32 @p1 $0x1  }
0x15: {  	[smem:$0x3FB9] =	sst s0;
	s0 =	simm.s32 @!p2 $0x0  }
0x16: {  	s3 =	sld [smem:$0x3FDB];
	s0 =	simm.s32 @p2 $0x1  }
0x17: {  	s4 =	simm.s32 $0x1BF5;
	[smem:$0x3FBB] =	sst s0  }
0x18: {  	s0 =	sld [smem:$0x3F9E];
	_ =	swait.ge [sflag:s4], $0x0  }
0x19: {  	s7 =	sld [smem:$0x3F9F]  }
0x1a: {  	s8 =	sadd.s32 $0xFFFFE003, lr  }
0x1b: {  	s9 =	sadd.s32 $0xFFFFFEF7, lr;
	s5 =	simm.s32 $0xFFFFFFFF;
	p2 =	slt.u32 s8, $0xFFFFF086  }
0x1c: {  	p1 =	slt.u32 s9, $0xF7A;
	s5 =	simm.s32 @!p2 $0x0  }
0x1d: {  	s5 =	simm.s32 @p1 $0x1;
	p0 =	seq.s32 s7, s2  }
0x1e: {  	s7 =	smul.u32 @!p0 $0xF7A, s2;
	p2 =	seq.s32 @!p0 s5, $0x0  }
0x1f: {  	s9 =	smul.u32 $0xF7A, s1;
	s8 =	simm.s32 @!p0 $0x1BF5;
	p2 =	por !p2, p0  }
0x20: {  	[sflag:s8] =	ssyncset.s32 @!p0 $0xFFFFF086;
	s6 =	sadd.s32 @!p0 s3, s7;
	s7 =	simm.s32 @!p0 $0x108  }
0x21: {  	s3 =	sadd.s32 s3, s9;
	s6 =	sadd.s32 @!p0 $0x88, s6;
	s7 =	simm.s32 @p2 $0x1082  }
0x22: {  	[simem:s7], [sflag:s8] =	dma.local @!p0 [hbm:s6], $0xF7A  }
0x23: {  	s9 =	sor.u32 $0xD0000000, s2;
	s6 =	simm.s32 $0x108;
	_ =	swait.ge @!p0 [sflag:s8], $0x0  }
0x24: {  	s3 =	sadd.s32 $0x88, s3;
	s6 =	simm.s32 @!p1 $0x1082;
	[sflag:s4] =	ssyncset.s32 $0xFFFFF086  }
0x25: {  	[simem:s6], [sflag:s4] =	dma.local [hbm:s3], $0xF7A  }
0x26: {  	[smem:$0x3F9F] =	sst s1;
	(tag) =	ssettag s2;
	_ =	strace s9  }
0x27: {  	s1 =	sld [smem:$0x3FAF]  }
0x28: {  	s2 =	sld [smem:$0x3FB0]  }
0x29: {  	s4 =	sld [smem:$0x3FB2]  }
0x2a: {  	p0 =	seq.s32 s5, $0x0;
	s5 =	sld [smem:$0x3FB3]  }
0x2b: {  	s6 =	sld [smem:$0x3FB4]  }
0x2c: {  	s7 =	sld [smem:$0x3FB5]  }
0x2d: {  	s3 =	simm.s32 $0x108;
	s8 =	sld [smem:$0x3FB6]  }
0x2e: {  	s3 =	simm.s32 @!p0 $0x1082;
	s9 =	sld [smem:$0x3FB7]  }
0x2f: {  	lr =	sadd.s32 s0, s3;
	s0 =	sld [smem:$0x3FAE]  }
0x30: {  	s3 =	sld [smem:$0x3FB1]  }
0x31: {  	[smem:$0x3FBA] =	sst s10  }
0x32: {  	s10 =	sld [smem:$0x3FB8];
	_ =	sdelay $0x3  }
0x33: {  	p0 =	seq.s32 s10, $0x1;
	s10 =	sld [smem:$0x3FBA];
	_ =	sdelay $0x3  }
0x34: {  	[smem:$0x3FBA] =	sst s10  }
0x35: {  	s10 =	sld [smem:$0x3FB9];
	_ =	sdelay $0x3  }
0x36: {  	p1 =	seq.s32 s10, $0x1;
	s10 =	sld [smem:$0x3FBA];
	_ =	sdelay $0x3  }
0x37: {  	[smem:$0x3FBA] =	sst s10  }
0x38: {  	s10 =	sld [smem:$0x3FBB]  }
0x39: {  	_ = 	snop;
	(pc) =	sbr.ind lr, $3  }
0x3a: {  	_ = 	snop  }
0x3b: {  	_ = 	snop  }
0x3c: {  	p2 =	seq.s32 s10, $0x1;
	s10 =	sld [smem:$0x3FBA]  }
0x3d: {  	_ =	shalt  }
0x3e: {  	_ =	shalt  }
0x3f: {  	_ =	shalt  }
0x40: {  	_ =	shalt  }
0x41: {  	_ =	shalt  }
0x42: {  	_ =	shalt  }
0x43: {  	_ =	shalt  }
0x44: {  	_ =	shalt  }
0x45: {  	_ =	shalt  }
0x46: {  	_ =	shalt  }
0x47: {  	_ =	shalt  }
0x48: {  	_ =	shalt  }
0x49: {  	_ =	shalt  }
0x4a: {  	_ =	shalt  }
0x4b: {  	_ =	shalt  }
0x4c: {  	_ =	shalt  }
0x4d: {  	_ =	shalt  }
0x4e: {  	_ =	shalt  }
0x4f: {  	_ =	shalt  }
0x50: {  	_ =	shalt  }
0x51: {  	_ =	shalt  }
0x52: {  	_ =	shalt  }
0x53: {  	_ =	shalt  }
0x54: {  	_ =	shalt  }
0x55: {  	_ =	shalt  }
0x56: {  	_ =	shalt  }
0x57: {  	_ =	shalt  }
0x58: {  	_ =	shalt  }
0x59: {  	_ =	shalt  }
0x5a: {  	_ =	shalt  }
0x5b: {  	_ =	shalt  }
0x5c: {  	_ =	shalt  }
0x5d: {  	_ =	shalt  }
0x5e: {  	_ =	shalt  }
0x5f: {  	_ =	shalt  }
0x60: {  	_ =	shalt  }
0x61: {  	_ =	shalt  }
0x62: {  	_ =	shalt  }
0x63: {  	_ =	shalt  }
0x64: {  	_ =	shalt  }
0x65: {  	_ =	shalt  }
0x66: {  	_ =	shalt  }
0x67: {  	_ =	shalt  }
0x68: {  	_ =	shalt  }
0x69: {  	_ =	shalt  }
0x6a: {  	_ =	shalt  }
0x6b: {  	_ =	shalt  }
0x6c: {  	_ =	shalt  }
0x6d: {  	_ =	shalt  }
0x6e: {  	_ =	shalt  }
0x6f: {  	_ =	shalt  }
0x70: {  	_ =	shalt  }
0x71: {  	_ =	shalt  }
0x72: {  	_ =	shalt  }
0x73: {  	_ =	shalt  }
0x74: {  	_ =	shalt  }
0x75: {  	_ =	shalt  }
0x76: {  	_ =	shalt  }
0x77: {  	_ =	shalt  }
0x78: {  	_ =	shalt  }
0x79: {  	_ =	shalt  }
0x7a: {  	_ =	shalt  }
0x7b: {  	_ =	shalt  }
0x7c: {  	_ =	shalt  }
0x7d: {  	_ =	shalt  }
0x7e: {  	_ =	shalt  }
0x7f: {  	_ =	shalt  }
0x80: {  	_ =	shalt  }
0x81: {  	_ =	shalt  }
0x82: {  	_ =	shalt  }
0x83: {  	_ =	shalt  }
0x84: {  	_ =	shalt  }
0x85: {  	_ =	shalt  }
0x86: {  	_ =	shalt  }
0x87: {  	_ =	shalt  }
.Lfunc_end0:
.L_simem_size_0:
called_computation_lowered:
.L_overlay_start_0:
0x88: {  	s2 =	sld [smem:$0x3FD9]  }
0x89: {  	s3 =	sld [smem:$0x3FFE];
	_ =	sdelay $0x1  }
0x8a: {  	s1 =	srdreg.scid  }
0x8b: {  	s0 =	sand.u32 $0x1, s1  }
0x8c: {  	s17 =	sshll.u32 s0, $0xA;
	s2 =	sadd.s32 s3, s2  }
0x8d: {  	s2 =	sadd.s32 s2, s17  }
0x8e: {  	[smem:$0x3FC6] =	sst s2  }
0x8f: {  	_ = 	snop  }
0x90: {  	s2 =	sld [smem:$0x3FC9]  }
0x91: {  	s18 =	sld [smem:$0x3FD0];
	(tm) =	ssettm $0x1  }
0x92: {  	s4 =	sld [smem:$0x3FFB];
	_ =	sdelay $0x3  }
0x93: {  	_ =	strace s4  }
0x94: {  	s4 =	sld [smem:$0x3FFC];
	_ =	sdelay $0x3  }
0x95: {  	_ =	strace s4  }
0x96: {  	s4 =	sld [smem:$0x3FFD];
	_ =	sdelay $0x3  }
0x97: {  	_ =	strace s4  }
0x98: {  	_ =	strace $0x8FFFFFFF  }
0x99: {  	s19 =	sld [smem:$0x3FDB];
	_ =	sdelay $0x1  }
0x9a: {  	s5 =	simm.s32 $_scs_section_size  }
0x9b: {  	s6 =	simm.s32 $_size__tile_overlayer_lowered;
	s7 =	simm.s32 $_tile_overlayer_lowered  }
0x9c: {  	s22 =	simm.s32 $0x1BFF;
	s21 =	sshll.u32 s7, $0x1;
	s4 =	sadd.s32 s5, s19  }
0x9d: {  	s8 =	simm.s32 $0x0;
	s20 =	sshll.u32 s6, $0x1;
	s6 =	sadd.s32 s21, s4  }
0x9e: {  	[timem:s8], [sflag:s22] =	dma.local [hbm:s6], s20  }
0x9f: {  	_ =	swait.ge [sflag:s22], s20  }
0xa0: {  	s5 =	ssub.s32 $0x0, s20;
	[sflag:s22] =	ssyncset.done $0x0  }
0xa1: {  	[sflag:s22] =	ssyncadd.s32 s5;
	_ =	sdelay $0x1  }
0xa2: {  	s23 =	simm.s32 $0x1B8B  }
0xa3: {  	_ =	swait.ge [sflag:s23], $0x1  }
0xa4: {  	[sflag:s23] =	ssyncset.done $0x0  }
0xa5: {  	s25 =	simm.s32 $0x1B8E;
	s24 =	sld [smem:$0x3FFE];
	[sflag:s23] =	ssyncadd.s32 $0xFFFFFFFF  }
0xa6: {  	s26 =	simm.s32 $execute0_lowered;
	[smem:$0x3FD2] =	sst s25  }
0xa7: {  	s6 =	sshll.u32 s26, $0x1;
	_ =	strace $0x80000046;
	[dreg:$0x1] =	wrdreg $0xFFFFFFFF  }
0xa8: {  	s28 =	simm.s32 $_size_execute0_lowered;
	s4 =	sadd.s32 s4, s6;
	[dreg:$0x0] =	wrdreg $0x0  }
0xa9: {  	s6 =	sshll.u32 s28, $0x1;
	[dreg:$0x2] =	wrdreg s4  }
0xaa: {  	[dreg:$0x3] =	wrdreg s6  }
0xab: {  	[dreg:$0x4] =	wrdreg $0xC0  }
0xac: {  	_ =	task [dreg:s8], $0x5FFFF  }
0xad: {  	[dreg:$0x1] =	wrdreg $0xFFFFFFFF  }
0xae: {  	[dreg:$0x0] =	wrdreg $0x60  }
0xaf: {  	[dreg:$0x2] =	wrdreg s2  }
0xb0: {  	[dreg:$0x3] =	wrdreg s18  }
0xb1: {  	[dreg:$0x4] =	wrdreg s24  }
0xb2: {  	[dreg:$0x5] =	wrdreg $0x9  }
0xb3: {  	_ =	task.clear_ibuf [dreg:s8], $0x6FFFF;
	_ =	strace $0x90000046  }
0xb4: {  	s29 =	simm.s32 $0x9;
	_ =	strace $0x80000048  }
0xb5: {  	_ =	swait.ge [sflag:s29], $0x1  }
0xb6: {  	[sflag:s29] =	ssyncadd.s32 $0xFFFFFFFF  }
0xb7: {  	_ =	strace $0x90000048  }
0xb8: {  	_ =	sfence  }
0xb9: {  	s30 =	sld [smem:$0x0];
	_ =	sdelay $0x2  }
0xba: {  	s31 =	sshll.u32 s1, $0xD;
	s1 =	sshrl.u32 s1, $0x2  }
0xbb: {  	s3 =	sand.u32 $0x4000, s31;
	s1 =	sadd.s32 s1, s30  }
0xbc: {  	s0 =	sor.u32 s3, s0;
	s1 =	sshll.u32 s1, $0x11  }
0xbd: {  	s0 =	sor.u32 s1, s0  }
0xbe: {  	s0 =	sadd.s32 $0x8F2B, s0  }
0xbf: {  	[sflag:s0] =	ssyncadd.remote.s32 $0x1  }
0xc0: {  	_ =	sfence.sel $0xFFFF  }
0xc1: {  	[dreg:$0x0] =	wrdreg $0xFFFFFFFF;
	(pc) =	sbr.abs _section_cstart, $3  }
0xc2: {  	[dreg:$0x1] =	wrdreg $0xFFFFFFFF  }
0xc3: {  	_ =	task.clear_ibuf [dreg:s8], $0x2FFFF;
	_ =	strace $0x9FFFFFFF  }
0xc4: {  	(tm) =	ssettm $0x7FFFFFFF  }
0xc5: {  	_ =	shalt  }
tec
execute0_lowered:
.L_overlay_start_1:
0x0: {  	(tag) =	ssettag $0x1  }
0x1: {  	s1 =	rddreg [dreg:$0x0]  }
0x2: {  	s4 =	rddreg [dreg:$0x1]  }
0x3: {  	s5 =	rddreg [dreg:$0x2];
	s3 =	srdreg.scid  }
0x4: {  	s0 =	rddreg [dreg:$0x3];
	s2 =	stileid.u32;
	s10 =	simm.s32 $0x1080  }
0x5: {  	s11 =	simm.s32 $0x1880;
	s12 =	simm.s32 $0x2080;
	s13 =	simm.s32 $0x2880  }
0x6: {  	s14 =	simm.s32 $0x3080;
	s15 =	simm.s32 $0x3880;
	s16 =	simm.s32 $0x4080  }
0x7: {  	s17 =	simm.s32 $0x4880;
	s18 =	simm.s32 $0x5080;
	s19 =	simm.s32 $0x5880  }
0x8: {  	s20 =	simm.s32 $0x6080;
	s21 =	simm.s32 $0x6880;
	s22 =	simm.s32 $0x7080  }
0x9: {  	s23 =	simm.s32 $0x7880;
	s24 =	simm.s32 $0x1;
	s6 =	sand.u32 $0x1, s3  }
0xa: {  	s3 =	simm.s32 $0x0;
	s7 =	sshll.u32 s2, $0x8;
	s8 =	sshll.u32 s6, $0x7  }
0xb: {  	[smem:$0x7FF] =	sst s3;
	s6 =	ssub.s32 $0x2, s6;
	s7 =	sor.u32 s8, s7  }
0xc: {  	_ =	strace $0x80000047;
	s9 =	sshrl.u32 s6, $0x1;
	s8 =	sshll.u32 s7, $0x5  }
0xd: {  	v2 =	vlaneseq.u32;
	s6 =	ssub.s32 s6, s9;
	s7 =	sshrl.u32 s7, $0x3;
	s9 =	simm.s32 $0x880  }
0xe: {  	vm0 =	vmmov $0xffff;
	v1 =	vshrl.u32 v2, $0x3;
	s5 =	sadd.s32 s8, s5;
	s4 =	sadd.s32 s4, s7;
	s6 =	smax.u32 s6, $0x1  }
0xf: {  	v0 =	vand.u32 $0x7, v2;
	v2 =	vor.u32 $0x8, v2;
	v1 =	vmul.u32 $0x8, v1;
	s7 =	simm.s32 $0x2;
	s8 =	simm.s32 $0x80;
	s5 =	sadd.s32 $0x1600, s5  }
.LBB2_1:
0x10: {  	[tilespmem:s3], [sflag:$0x2] =	stream.linear.gather [hbm4b:s4+s3], $0x80, $0x38;
	[tilespmem:$0x8080] =	vst v63  }
0x11: {  	_ =	swait.ge [sflag:s7], $0x80  }
0x12: {  	[sflag:s7] =	ssyncset.done $0x0  }
0x13: {  	[sflag:s7] =	ssyncadd.s32 $0xFFFFFF80  }
0x14: {  	v3 =	vld [tilespmem:$0x0];
	_ =	sdelay $0x4  }
0x15: {  	v4 =	vshll.u32 v3, $0x1  }
0x16: {  	v3 =	vand.u32 $0x7, v3;
	v4 =	vand.u32 $0xFFFFFFF0, v4  }
0x17: {  	v3 =	vor.u32 v3, v4  }
0x18: {  	v4 =	vperm.xlane v3, v0;
	_ =	sdelay $0x1  }
0x19: {  	v3 =	vperm.xlane v3, v2;
	v4 =	vadd.s32 v1, v4;
	_ =	sdelay $0x1  }
0x1a: {  	v3 =	vadd.s32 v1, v3;
	_ =	sdelay $0x2  }
0x1b: {  	[tilespmem:s8], [sflag:$0x1] =	stream.indirect_vreg.gather [hbm4b:s1+s3], $0x80, v4, vm0, $0xb8;
	[tilespmem:$0x8080] =	vst v63  }
0x1c: {  	_ = 	snop  }
0x1d: {  	[tilespmem:s9], [sflag:$0x1] =	stream.indirect_vreg.gather [hbm4b:s1+s3], $0x80, v3, vm0, $0xb8;
	[tilespmem:$0x8080] =	vst v63  }
0x1e: {  	v3 =	vld [tilespmem:$0x10];
	_ =	sdelay $0x4  }
0x1f: {  	v57 =	vshll.u32 v3, $0x1  }
0x20: {  	v3 =	vand.u32 $0x7, v3;
	v4 =	vand.u32 $0xFFFFFFF0, v57  }
0x21: {  	v3 =	vor.u32 v3, v4  }
0x22: {  	v4 =	vperm.xlane v3, v0;
	_ =	sdelay $0x1  }
0x23: {  	v3 =	vperm.xlane v3, v2;
	v4 =	vadd.s32 v1, v4;
	_ =	sdelay $0x1  }
0x24: {  	v3 =	vadd.s32 v1, v3;
	_ =	sdelay $0x2  }
0x25: {  	[tilespmem:s10], [sflag:$0x1] =	stream.indirect_vreg.gather [hbm4b:s1+s3], $0x80, v4, vm0, $0xb8;
	[tilespmem:$0x8080] =	vst v63  }
0x26: {  	_ = 	snop  }
0x27: {  	[tilespmem:s11], [sflag:$0x1] =	stream.indirect_vreg.gather [hbm4b:s1+s3], $0x80, v3, vm0, $0xb8;
	[tilespmem:$0x8080] =	vst v63  }
0x28: {  	v3 =	vld [tilespmem:$0x20];
	_ =	sdelay $0x4  }
0x29: {  	v58 =	vshll.u32 v3, $0x1  }
0x2a: {  	v3 =	vand.u32 $0x7, v3;
	v4 =	vand.u32 $0xFFFFFFF0, v58  }
0x2b: {  	v3 =	vor.u32 v3, v4  }
0x2c: {  	v4 =	vperm.xlane v3, v0;
	_ =	sdelay $0x1  }
0x2d: {  	v3 =	vperm.xlane v3, v2;
	v4 =	vadd.s32 v1, v4;
	_ =	sdelay $0x1  }
0x2e: {  	v3 =	vadd.s32 v1, v3;
	_ =	sdelay $0x2  }
0x2f: {  	[tilespmem:s12], [sflag:$0x1] =	stream.indirect_vreg.gather [hbm4b:s1+s3], $0x80, v4, vm0, $0xb8;
	[tilespmem:$0x8080] =	vst v63  }
0x30: {  	_ = 	snop  }
0x31: {  	[tilespmem:s13], [sflag:$0x1] =	stream.indirect_vreg.gather [hbm4b:s1+s3], $0x80, v3, vm0, $0xb8;
	[tilespmem:$0x8080] =	vst v63  }
0x32: {  	v3 =	vld [tilespmem:$0x30];
	_ =	sdelay $0x4  }
0x33: {  	v59 =	vshll.u32 v3, $0x1  }
0x34: {  	v3 =	vand.u32 $0x7, v3;
	v4 =	vand.u32 $0xFFFFFFF0, v59  }
0x35: {  	v3 =	vor.u32 v3, v4  }
0x36: {  	v4 =	vperm.xlane v3, v0;
	_ =	sdelay $0x1  }
0x37: {  	v3 =	vperm.xlane v3, v2;
	v4 =	vadd.s32 v1, v4;
	_ =	sdelay $0x1  }
0x38: {  	v3 =	vadd.s32 v1, v3;
	_ =	sdelay $0x2  }
0x39: {  	[tilespmem:s14], [sflag:$0x1] =	stream.indirect_vreg.gather [hbm4b:s1+s3], $0x80, v4, vm0, $0xb8;
	[tilespmem:$0x8080] =	vst v63  }
0x3a: {  	_ = 	snop  }
0x3b: {  	[tilespmem:s15], [sflag:$0x1] =	stream.indirect_vreg.gather [hbm4b:s1+s3], $0x80, v3, vm0, $0xb8;
	[tilespmem:$0x8080] =	vst v63  }
0x3c: {  	v3 =	vld [tilespmem:$0x40];
	_ =	sdelay $0x4  }
0x3d: {  	v60 =	vshll.u32 v3, $0x1  }
0x3e: {  	v3 =	vand.u32 $0x7, v3;
	v4 =	vand.u32 $0xFFFFFFF0, v60  }
0x3f: {  	v3 =	vor.u32 v3, v4  }
0x40: {  	v4 =	vperm.xlane v3, v0;
	_ =	sdelay $0x1  }
0x41: {  	v3 =	vperm.xlane v3, v2;
	v4 =	vadd.s32 v1, v4;
	_ =	sdelay $0x1  }
0x42: {  	v3 =	vadd.s32 v1, v3;
	_ =	sdelay $0x2  }
0x43: {  	[tilespmem:s16], [sflag:$0x1] =	stream.indirect_vreg.gather [hbm4b:s1+s3], $0x80, v4, vm0, $0xb8;
	[tilespmem:$0x8080] =	vst v63  }
0x44: {  	_ = 	snop  }
0x45: {  	[tilespmem:s17], [sflag:$0x1] =	stream.indirect_vreg.gather [hbm4b:s1+s3], $0x80, v3, vm0, $0xb8;
	[tilespmem:$0x8080] =	vst v63  }
0x46: {  	v3 =	vld [tilespmem:$0x50];
	_ =	sdelay $0x4  }
0x47: {  	v61 =	vshll.u32 v3, $0x1  }
0x48: {  	v3 =	vand.u32 $0x7, v3;
	v4 =	vand.u32 $0xFFFFFFF0, v61  }
0x49: {  	v3 =	vor.u32 v3, v4  }
0x4a: {  	v4 =	vperm.xlane v3, v0;
	_ =	sdelay $0x1  }
0x4b: {  	v3 =	vperm.xlane v3, v2;
	v4 =	vadd.s32 v1, v4;
	_ =	sdelay $0x1  }
0x4c: {  	v3 =	vadd.s32 v1, v3;
	_ =	sdelay $0x2  }
0x4d: {  	[tilespmem:s18], [sflag:$0x1] =	stream.indirect_vreg.gather [hbm4b:s1+s3], $0x80, v4, vm0, $0xb8;
	[tilespmem:$0x8080] =	vst v63  }
0x4e: {  	_ = 	snop  }
0x4f: {  	[tilespmem:s19], [sflag:$0x1] =	stream.indirect_vreg.gather [hbm4b:s1+s3], $0x80, v3, vm0, $0xb8;
	[tilespmem:$0x8080] =	vst v63  }
0x50: {  	v3 =	vld [tilespmem:$0x60];
	_ =	sdelay $0x4  }
0x51: {  	v62 =	vshll.u32 v3, $0x1  }
0x52: {  	v3 =	vand.u32 $0x7, v3;
	v4 =	vand.u32 $0xFFFFFFF0, v62  }
0x53: {  	v3 =	vor.u32 v3, v4  }
0x54: {  	v4 =	vperm.xlane v3, v0;
	_ =	sdelay $0x1  }
0x55: {  	v3 =	vperm.xlane v3, v2;
	v4 =	vadd.s32 v1, v4;
	_ =	sdelay $0x1  }
0x56: {  	v3 =	vadd.s32 v1, v3;
	_ =	sdelay $0x2  }
0x57: {  	[tilespmem:s20], [sflag:$0x1] =	stream.indirect_vreg.gather [hbm4b:s1+s3], $0x80, v4, vm0, $0xb8;
	[tilespmem:$0x8080] =	vst v63  }
0x58: {  	_ = 	snop  }
0x59: {  	[tilespmem:s21], [sflag:$0x1] =	stream.indirect_vreg.gather [hbm4b:s1+s3], $0x80, v3, vm0, $0xb8;
	[tilespmem:$0x8080] =	vst v63  }
0x5a: {  	v3 =	vld [tilespmem:$0x70];
	_ =	sdelay $0x4  }
0x5b: {  	v63 =	vshll.u32 v3, $0x1  }
0x5c: {  	v3 =	vand.u32 $0x7, v3;
	v4 =	vand.u32 $0xFFFFFFF0, v63  }
0x5d: {  	v3 =	vor.u32 v3, v4  }
0x5e: {  	v4 =	vperm.xlane v3, v0;
	_ =	sdelay $0x1  }
0x5f: {  	v3 =	vperm.xlane v3, v2;
	v4 =	vadd.s32 v1, v4;
	_ =	sdelay $0x1  }
0x60: {  	v3 =	vadd.s32 v1, v3;
	_ =	sdelay $0x2  }
0x61: {  	[tilespmem:s22], [sflag:$0x1] =	stream.indirect_vreg.gather [hbm4b:s1+s3], $0x80, v4, vm0, $0xb8;
	[tilespmem:$0x8080] =	vst v63  }
0x62: {  	_ = 	snop  }
0x63: {  	[tilespmem:s23], [sflag:$0x1] =	stream.indirect_vreg.gather [hbm4b:s1+s3], $0x80, v3, vm0, $0xb8;
	[tilespmem:$0x8080] =	vst v63  }
0x64: {  	_ =	swait.ge [sflag:s24], $0x8000  }
0x65: {  	p0 =	sne.s32 s6, $0x1;
	[sflag:s24] =	ssyncset.done $0x0  }
.Ltmp0:
0x66: {  	[sflag:s24] =	ssyncadd.s32 $0xFFFF8000;
	(pc) =	sbr.rel @p0 .LBB2_1-.Ltmp0, $4  }
0x67: {  	[hbm4b:s5+s3] =	stream.linear.scatter [tilespmem:s8], [sflag:$0x2], $0x8000, $0x38;
	[tilespmem:$0x8080] =	vst v63  }
0x68: {  	_ =	swait.ge [sflag:s7], $0x8000  }
0x69: {  	[sflag:s7] =	ssyncset.done $0x0  }
0x6a: {  	s6 =	sadd.s32 $0xFFFFFFFF, s6;
	[sflag:s7] =	ssyncadd.s32 $0xFFFF8000  }
0x6b: {  	_ =	sfence.sel $0x180000  }
0x6c: {  	[bflag:$0x0] =	sbarrier.arrive $0xFFFF  }
0x6d: {  	p0 =	sne.s32 s2, $0x0;
	_ =	strace $0x90000047  }
0x6e: {  	s0 =	sadd.s32 @!p0 $0x100000, s0;
	[bflag:$0x2] =	sbarrier.arrive $0xFFFF  }
0x6f: {  	[sflag:s0] =	ssyncadd.tile.s32 @!p0 $0x1;
	_ =	shalt  }
.Lfunc_end2:
_tile_overlayer_lowered:
.L_overlay_start_2:
0x70: {  	(tag) =	ssettag $0x2  }
0x71: {  	s0 =	rddreg [dreg:$0x0];
	s2 =	stileid.u32  }
0x72: {  	s1 =	rddreg [dreg:$0x1];
	p0 =	sne.s32 s2, $0x0  }
0x73: {  	s3 =	rddreg [dreg:$0x2];
	[bflag:$0x3] =	sbarrier.arrive $0xFFFF;
	s2 =	simm.s32 @!p0 $0x1C02  }
0x74: {  	[timem:s3], [sflag:s2] =	dma.local @!p0 [hbm:s0], s1  }
0x75: {  	s0 =	simm.s32 @!p0 $0x2  }
0x76: {  	_ =	swait.ge @!p0 [sflag:s0], s1  }
0x77: {  	s1 =	ssub.s32 @!p0 $0x0, s1;
	[sflag:s0] =	ssyncset.done @!p0 $0x0  }
0x78: {  	[sflag:s0] =	ssyncadd.s32 @!p0 s1  }
0x79: {  	[bflag:$0x3] =	sbarrier.arrive $0xFFFF  }
0x7a: {  	_ =	shalt  }

// kernel: kernel.13.cloned.1.call-start
scs
__scs_entry_jumppad:
0x0: {  	(pc) =	sbr.rel $0x88, $3  }
0x1: {  	(tag) =	ssettag $0x0;
	lr =	simm.s32 $0x1  }
0x2: {  	[smem:$0x3F9F] =	sst lr;
	_ =	strace $0xD0000000  }
0x3: {  	_ = 	snop  }
0x4: {  	_ = 	snop  }
0x5: {  	_ = 	snop  }
0x6: {  	_ = 	snop  }
0x7: {  	_ = 	snop  }
__scs_overlays_trampoline_lowered:
0x8: {  	[smem:$0x3FAE] =	sst s0  }
0x9: {  	[smem:$0x3FAF] =	sst s1  }
0xa: {  	[smem:$0x3FB0] =	sst s2  }
0xb: {  	[smem:$0x3FB1] =	sst s3  }
0xc: {  	[smem:$0x3FB2] =	sst s4  }
0xd: {  	[smem:$0x3FB3] =	sst s5  }
0xe: {  	[smem:$0x3FB4] =	sst s6  }
0xf: {  	[smem:$0x3FB5] =	sst s7  }
0x10: {  	[smem:$0x3FB6] =	sst s8  }
0x11: {  	[smem:$0x3FB7] =	sst s9;
	s0 =	simm.s32 @!p0 $0x0  }
0x12: {  	s1 =	sld [smem:$0x3F9D];
	s0 =	simm.s32 @p0 $0x1  }
0x13: {  	[smem:$0x3FB8] =	sst s0;
	s0 =	simm.s32 @!p1 $0x0  }
0x14: {  	s2 =	sld [smem:$0x3F9C];
	s0 =	simm.s32 @p1 $0x1  }
0x15: {  	[smem:$0x3FB9] =	sst s0;
	s0 =	simm.s32 @!p2 $0x0  }
0x16: {  	s3 =	sld [smem:$0x3FDB];
	s0 =	simm.s32 @p2 $0x1  }
0x17: {  	s4 =	simm.s32 $0x1BF5;
	[smem:$0x3FBB] =	sst s0  }
0x18: {  	s0 =	sld [smem:$0x3F9E];
	_ =	swait.ge [sflag:s4], $0x0  }
0x19: {  	s7 =	sld [smem:$0x3F9F]  }
0x1a: {  	s8 =	sadd.s32 $0xFFFFE003, lr  }
0x1b: {  	s9 =	sadd.s32 $0xFFFFFEF7, lr;
	s5 =	simm.s32 $0xFFFFFFFF;
	p2 =	slt.u32 s8, $0xFFFFF086  }
0x1c: {  	p1 =	slt.u32 s9, $0xF7A;
	s5 =	simm.s32 @!p2 $0x0  }
0x1d: {  	s5 =	simm.s32 @p1 $0x1;
	p0 =	seq.s32 s7, s2  }
0x1e: {  	s7 =	smul.u32 @!p0 $0xF7A, s2;
	p2 =	seq.s32 @!p0 s5, $0x0  }
0x1f: {  	s9 =	smul.u32 $0xF7A, s1;
	s8 =	simm.s32 @!p0 $0x1BF5;
	p2 =	por !p2, p0  }
0x20: {  	[sflag:s8] =	ssyncset.s32 @!p0 $0xFFFFF086;
	s6 =	sadd.s32 @!p0 s3, s7;
	s7 =	simm.s32 @!p0 $0x108  }
0x21: {  	s3 =	sadd.s32 s3, s9;
	s6 =	sadd.s32 @!p0 $0x88, s6;
	s7 =	simm.s32 @p2 $0x1082  }
0x22: {  	[simem:s7], [sflag:s8] =	dma.local @!p0 [hbm:s6], $0xF7A  }
0x23: {  	s9 =	sor.u32 $0xD0000000, s2;
	s6 =	simm.s32 $0x108;
	_ =	swait.ge @!p0 [sflag:s8], $0x0  }
0x24: {  	s3 =	sadd.s32 $0x88, s3;
	s6 =	simm.s32 @!p1 $0x1082;
	[sflag:s4] =	ssyncset.s32 $0xFFFFF086  }
0x25: {  	[simem:s6], [sflag:s4] =	dma.local [hbm:s3], $0xF7A  }
0x26: {  	[smem:$0x3F9F] =	sst s1;
	(tag) =	ssettag s2;
	_ =	strace s9  }
0x27: {  	s1 =	sld [smem:$0x3FAF]  }
0x28: {  	s2 =	sld [smem:$0x3FB0]  }
0x29: {  	s4 =	sld [smem:$0x3FB2]  }
0x2a: {  	p0 =	seq.s32 s5, $0x0;
	s5 =	sld [smem:$0x3FB3]  }
0x2b: {  	s6 =	sld [smem:$0x3FB4]  }
0x2c: {  	s7 =	sld [smem:$0x3FB5]  }
0x2d: {  	s3 =	simm.s32 $0x108;
	s8 =	sld [smem:$0x3FB6]  }
0x2e: {  	s3 =	simm.s32 @!p0 $0x1082;
	s9 =	sld [smem:$0x3FB7]  }
0x2f: {  	lr =	sadd.s32 s0, s3;
	s0 =	sld [smem:$0x3FAE]  }
0x30: {  	s3 =	sld [smem:$0x3FB1]  }
0x31: {  	[smem:$0x3FBA] =	sst s10  }
0x32: {  	s10 =	sld [smem:$0x3FB8];
	_ =	sdelay $0x3  }
0x33: {  	p0 =	seq.s32 s10, $0x1;
	s10 =	sld [smem:$0x3FBA];
	_ =	sdelay $0x3  }
0x34: {  	[smem:$0x3FBA] =	sst s10  }
0x35: {  	s10 =	sld [smem:$0x3FB9];
	_ =	sdelay $0x3  }
0x36: {  	p1 =	seq.s32 s10, $0x1;
	s10 =	sld [smem:$0x3FBA];
	_ =	sdelay $0x3  }
0x37: {  	[smem:$0x3FBA] =	sst s10  }
0x38: {  	s10 =	sld [smem:$0x3FBB]  }
0x39: {  	_ = 	snop;
	(pc) =	sbr.ind lr, $3  }
0x3a: {  	_ = 	snop  }
0x3b: {  	_ = 	snop  }
0x3c: {  	p2 =	seq.s32 s10, $0x1;
	s10 =	sld [smem:$0x3FBA]  }
0x3d: {  	_ =	shalt  }
0x3e: {  	_ =	shalt  }
0x3f: {  	_ =	shalt  }
0x40: {  	_ =	shalt  }
0x41: {  	_ =	shalt  }
0x42: {  	_ =	shalt  }
0x43: {  	_ =	shalt  }
0x44: {  	_ =	shalt  }
0x45: {  	_ =	shalt  }
0x46: {  	_ =	shalt  }
0x47: {  	_ =	shalt  }
0x48: {  	_ =	shalt  }
0x49: {  	_ =	shalt  }
0x4a: {  	_ =	shalt  }
0x4b: {  	_ =	shalt  }
0x4c: {  	_ =	shalt  }
0x4d: {  	_ =	shalt  }
0x4e: {  	_ =	shalt  }
0x4f: {  	_ =	shalt  }
0x50: {  	_ =	shalt  }
0x51: {  	_ =	shalt  }
0x52: {  	_ =	shalt  }
0x53: {  	_ =	shalt  }
0x54: {  	_ =	shalt  }
0x55: {  	_ =	shalt  }
0x56: {  	_ =	shalt  }
0x57: {  	_ =	shalt  }
0x58: {  	_ =	shalt  }
0x59: {  	_ =	shalt  }
0x5a: {  	_ =	shalt  }
0x5b: {  	_ =	shalt  }
0x5c: {  	_ =	shalt  }
0x5d: {  	_ =	shalt  }
0x5e: {  	_ =	shalt  }
0x5f: {  	_ =	shalt  }
0x60: {  	_ =	shalt  }
0x61: {  	_ =	shalt  }
0x62: {  	_ =	shalt  }
0x63: {  	_ =	shalt  }
0x64: {  	_ =	shalt  }
0x65: {  	_ =	shalt  }
0x66: {  	_ =	shalt  }
0x67: {  	_ =	shalt  }
0x68: {  	_ =	shalt  }
0x69: {  	_ =	shalt  }
0x6a: {  	_ =	shalt  }
0x6b: {  	_ =	shalt  }
0x6c: {  	_ =	shalt  }
0x6d: {  	_ =	shalt  }
0x6e: {  	_ =	shalt  }
0x6f: {  	_ =	shalt  }
0x70: {  	_ =	shalt  }
0x71: {  	_ =	shalt  }
0x72: {  	_ =	shalt  }
0x73: {  	_ =	shalt  }
0x74: {  	_ =	shalt  }
0x75: {  	_ =	shalt  }
0x76: {  	_ =	shalt  }
0x77: {  	_ =	shalt  }
0x78: {  	_ =	shalt  }
0x79: {  	_ =	shalt  }
0x7a: {  	_ =	shalt  }
0x7b: {  	_ =	shalt  }
0x7c: {  	_ =	shalt  }
0x7d: {  	_ =	shalt  }
0x7e: {  	_ =	shalt  }
0x7f: {  	_ =	shalt  }
0x80: {  	_ =	shalt  }
0x81: {  	_ =	shalt  }
0x82: {  	_ =	shalt  }
0x83: {  	_ =	shalt  }
0x84: {  	_ =	shalt  }
0x85: {  	_ =	shalt  }
0x86: {  	_ =	shalt  }
0x87: {  	_ =	shalt  }
.Lfunc_end0:
.L_simem_size_0:
called_computation.1_lowered:
.L_overlay_start_0:
0x88: {  	s2 =	sld [smem:$0x3FD9]  }
0x89: {  	s3 =	sld [smem:$0x3FFE];
	_ =	sdelay $0x1  }
0x8a: {  	s1 =	srdreg.scid  }
0x8b: {  	s0 =	sand.u32 $0x1, s1  }
0x8c: {  	s17 =	sshll.u32 s0, $0xA;
	s2 =	sadd.s32 s3, s2  }
0x8d: {  	s2 =	sadd.s32 s2, s17  }
0x8e: {  	[smem:$0x3FC6] =	sst s2  }
0x8f: {  	_ = 	snop  }
0x90: {  	s2 =	sld [smem:$0x3FD0];
	(tm) =	ssettm $0x1  }
0x91: {  	s18 =	sld [smem:$0x3FFB];
	_ =	sdelay $0x3  }
0x92: {  	_ =	strace s18  }
0x93: {  	s3 =	sld [smem:$0x3FFC];
	_ =	sdelay $0x3  }
0x94: {  	_ =	strace s3  }
0x95: {  	s3 =	sld [smem:$0x3FFD];
	_ =	sdelay $0x3  }
0x96: {  	_ =	strace s3  }
0x97: {  	_ =	strace $0x8FFFFFFF  }
0x98: {  	s19 =	sld [smem:$0x3FDB];
	_ =	sdelay $0x1  }
0x99: {  	s4 =	simm.s32 $_scs_section_size  }
0x9a: {  	s5 =	simm.s32 $_size__tile_overlayer_lowered;
	s6 =	simm.s32 $_tile_overlayer_lowered  }
0x9b: {  	s22 =	simm.s32 $0x1BFF;
	s21 =	sshll.u32 s6, $0x1;
	s3 =	sadd.s32 s4, s19  }
0x9c: {  	s7 =	simm.s32 $0x0;
	s20 =	sshll.u32 s5, $0x1;
	s5 =	sadd.s32 s21, s3  }
0x9d: {  	[timem:s7], [sflag:s22] =	dma.local [hbm:s5], s20  }
0x9e: {  	_ =	swait.ge [sflag:s22], s20  }
0x9f: {  	s4 =	ssub.s32 $0x0, s20;
	[sflag:s22] =	ssyncset.done $0x0  }
0xa0: {  	[sflag:s22] =	ssyncadd.s32 s4;
	_ =	sdelay $0x1  }
0xa1: {  	s23 =	simm.s32 $0x1B8B  }
0xa2: {  	_ =	swait.ge [sflag:s23], $0x1  }
0xa3: {  	[sflag:s23] =	ssyncset.done $0x0  }
0xa4: {  	s25 =	simm.s32 $0x1B8E;
	s24 =	sld [smem:$0x3FFE];
	[sflag:s23] =	ssyncadd.s32 $0xFFFFFFFF  }
0xa5: {  	s26 =	simm.s32 $execute0_lowered;
	[smem:$0x3FD2] =	sst s25  }
0xa6: {  	s5 =	sshll.u32 s26, $0x1;
	_ =	strace $0x80000049;
	[dreg:$0x1] =	wrdreg $0xFFFFFFFF  }
0xa7: {  	s28 =	simm.s32 $_size_execute0_lowered;
	s3 =	sadd.s32 s3, s5;
	[dreg:$0x0] =	wrdreg $0x0  }
0xa8: {  	s5 =	sshll.u32 s28, $0x1;
	[dreg:$0x2] =	wrdreg s3  }
0xa9: {  	[dreg:$0x3] =	wrdreg s5  }
0xaa: {  	[dreg:$0x4] =	wrdreg $0xC0  }
0xab: {  	_ =	task [dreg:s7], $0x5FFFF  }
0xac: {  	[dreg:$0x1] =	wrdreg $0xFFFFFFFF  }
0xad: {  	[dreg:$0x0] =	wrdreg $0x60  }
0xae: {  	[dreg:$0x2] =	wrdreg s24  }
0xaf: {  	[dreg:$0x3] =	wrdreg s2  }
0xb0: {  	[dreg:$0x4] =	wrdreg $0x9  }
0xb1: {  	_ =	task.clear_ibuf [dreg:s7], $0x5FFFF;
	_ =	strace $0x90000049  }
0xb2: {  	s29 =	simm.s32 $0x9;
	_ =	strace $0x8000004B  }
0xb3: {  	_ =	swait.ge [sflag:s29], $0x1  }
0xb4: {  	[sflag:s29] =	ssyncadd.s32 $0xFFFFFFFF  }
0xb5: {  	_ =	strace $0x9000004B  }
0xb6: {  	_ =	sfence  }
0xb7: {  	s30 =	sld [smem:$0x0];
	_ =	sdelay $0x2  }
0xb8: {  	s31 =	sshll.u32 s1, $0xD;
	s1 =	sshrl.u32 s1, $0x2  }
0xb9: {  	s3 =	sand.u32 $0x4000, s31;
	s1 =	sadd.s32 s1, s30  }
0xba: {  	s0 =	sor.u32 s3, s0;
	s1 =	sshll.u32 s1, $0x11  }
0xbb: {  	s0 =	sor.u32 s1, s0  }
0xbc: {  	s0 =	sadd.s32 $0x8F2B, s0  }
0xbd: {  	[sflag:s0] =	ssyncadd.remote.s32 $0x1  }
0xbe: {  	_ =	sfence.sel $0xFFFF  }
0xbf: {  	[dreg:$0x0] =	wrdreg $0xFFFFFFFF;
	(pc) =	sbr.abs _section_cstart, $3  }
0xc0: {  	[dreg:$0x1] =	wrdreg $0xFFFFFFFF  }
0xc1: {  	_ =	task.clear_ibuf [dreg:s7], $0x2FFFF;
	_ =	strace $0x9FFFFFFF  }
0xc2: {  	(tm) =	ssettm $0x7FFFFFFF  }
0xc3: {  	_ =	shalt  }
tec
execute0_lowered:
.L_overlay_start_1:
0x0: {  	(tag) =	ssettag $0x1  }
0x1: {  	s4 =	rddreg [dreg:$0x0]  }
0x2: {  	s5 =	rddreg [dreg:$0x1]  }
0x3: {  	s0 =	rddreg [dreg:$0x2];
	s3 =	srdreg.scid  }
0x4: {  	s2 =	simm.s32 $0x0;
	s1 =	stileid.u32;
	s10 =	simm.s32 $0x1080  }
0x5: {  	s11 =	simm.s32 $0x1880;
	s12 =	simm.s32 $0x2080;
	s13 =	simm.s32 $0x2880  }
0x6: {  	s14 =	simm.s32 $0x3080;
	s15 =	simm.s32 $0x3880;
	s16 =	simm.s32 $0x4080  }
0x7: {  	s17 =	simm.s32 $0x4880;
	s18 =	simm.s32 $0x5080;
	s19 =	simm.s32 $0x5880  }
0x8: {  	s20 =	simm.s32 $0x6080;
	s21 =	simm.s32 $0x6880;
	s22 =	simm.s32 $0x7080  }
0x9: {  	s23 =	simm.s32 $0x7880;
	s24 =	simm.s32 $0x1;
	s3 =	sand.u32 $0x1, s3  }
0xa: {  	[smem:$0x7FF] =	sst s2;
	s6 =	sshll.u32 s1, $0x8;
	s7 =	sshll.u32 s3, $0x7  }
0xb: {  	_ =	strace $0x8000004A;
	s31 =	ssub.s32 $0x2, s3;
	s6 =	sor.u32 s7, s6  }
0xc: {  	s3 =	sadd.s32 $0x1600, s4;
	s9 =	sshrl.u32 s31, $0x1;
	s8 =	sshrl.u32 s6, $0x3  }
0xd: {  	v2 =	vlaneseq.u32;
	s7 =	ssub.s32 s31, s9;
	s6 =	sshll.u32 s6, $0x5;
	s9 =	simm.s32 $0x880  }
0xe: {  	vm0 =	vmmov $0xffff;
	v1 =	vshrl.u32 v2, $0x3;
	s4 =	sadd.s32 s8, s4;
	s5 =	sadd.s32 s5, s6;
	s6 =	smax.u32 s7, $0x1  }
0xf: {  	v0 =	vand.u32 $0x7, v2;
	v2 =	vor.u32 $0x8, v2;
	v1 =	vmul.u32 $0x8, v1;
	s7 =	simm.s32 $0x2;
	s8 =	simm.s32 $0x80;
	s4 =	sadd.s32 $0x21600, s4  }
.LBB2_1:
0x10: {  	[tilespmem:s2], [sflag:$0x2] =	stream.linear.gather [hbm4b:s4+s2], $0x80, $0x38;
	[tilespmem:$0x8080] =	vst v63  }
0x11: {  	_ =	swait.ge [sflag:s7], $0x80  }
0x12: {  	[sflag:s7] =	ssyncset.done $0x0  }
0x13: {  	[sflag:s7] =	ssyncadd.s32 $0xFFFFFF80  }
0x14: {  	v3 =	vld [tilespmem:$0x0];
	_ =	sdelay $0x4  }
0x15: {  	v4 =	vshll.u32 v3, $0x1  }
0x16: {  	v3 =	vand.u32 $0x7, v3;
	v4 =	vand.u32 $0xFFFFFFF0, v4  }
0x17: {  	v3 =	vor.u32 v3, v4  }
0x18: {  	v4 =	vperm.xlane v3, v0;
	_ =	sdelay $0x1  }
0x19: {  	v3 =	vperm.xlane v3, v2;
	v4 =	vadd.s32 v1, v4;
	_ =	sdelay $0x1  }
0x1a: {  	v3 =	vadd.s32 v1, v3;
	_ =	sdelay $0x2  }
0x1b: {  	[tilespmem:s8], [sflag:$0x1] =	stream.indirect_vreg.gather [hbm4b:s3+s2], $0x80, v4, vm0, $0xb8;
	[tilespmem:$0x8080] =	vst v63  }
0x1c: {  	_ = 	snop  }
0x1d: {  	[tilespmem:s9], [sflag:$0x1] =	stream.indirect_vreg.gather [hbm4b:s3+s2], $0x80, v3, vm0, $0xb8;
	[tilespmem:$0x8080] =	vst v63  }
0x1e: {  	v3 =	vld [tilespmem:$0x10];
	_ =	sdelay $0x4  }
0x1f: {  	v57 =	vshll.u32 v3, $0x1  }
0x20: {  	v3 =	vand.u32 $0x7, v3;
	v4 =	vand.u32 $0xFFFFFFF0, v57  }
0x21: {  	v3 =	vor.u32 v3, v4  }
0x22: {  	v4 =	vperm.xlane v3, v0;
	_ =	sdelay $0x1  }
0x23: {  	v3 =	vperm.xlane v3, v2;
	v4 =	vadd.s32 v1, v4;
	_ =	sdelay $0x1  }
0x24: {  	v3 =	vadd.s32 v1, v3;
	_ =	sdelay $0x2  }
0x25: {  	[tilespmem:s10], [sflag:$0x1] =	stream.indirect_vreg.gather [hbm4b:s3+s2], $0x80, v4, vm0, $0xb8;
	[tilespmem:$0x8080] =	vst v63  }
0x26: {  	_ = 	snop  }
0x27: {  	[tilespmem:s11], [sflag:$0x1] =	stream.indirect_vreg.gather [hbm4b:s3+s2], $0x80, v3, vm0, $0xb8;
	[tilespmem:$0x8080] =	vst v63  }
0x28: {  	v3 =	vld [tilespmem:$0x20];
	_ =	sdelay $0x4  }
0x29: {  	v58 =	vshll.u32 v3, $0x1  }
0x2a: {  	v3 =	vand.u32 $0x7, v3;
	v4 =	vand.u32 $0xFFFFFFF0, v58  }
0x2b: {  	v3 =	vor.u32 v3, v4  }
0x2c: {  	v4 =	vperm.xlane v3, v0;
	_ =	sdelay $0x1  }
0x2d: {  	v3 =	vperm.xlane v3, v2;
	v4 =	vadd.s32 v1, v4;
	_ =	sdelay $0x1  }
0x2e: {  	v3 =	vadd.s32 v1, v3;
	_ =	sdelay $0x2  }
0x2f: {  	[tilespmem:s12], [sflag:$0x1] =	stream.indirect_vreg.gather [hbm4b:s3+s2], $0x80, v4, vm0, $0xb8;
	[tilespmem:$0x8080] =	vst v63  }
0x30: {  	_ = 	snop  }
0x31: {  	[tilespmem:s13], [sflag:$0x1] =	stream.indirect_vreg.gather [hbm4b:s3+s2], $0x80, v3, vm0, $0xb8;
	[tilespmem:$0x8080] =	vst v63  }
0x32: {  	v3 =	vld [tilespmem:$0x30];
	_ =	sdelay $0x4  }
0x33: {  	v59 =	vshll.u32 v3, $0x1  }
0x34: {  	v3 =	vand.u32 $0x7, v3;
	v4 =	vand.u32 $0xFFFFFFF0, v59  }
0x35: {  	v3 =	vor.u32 v3, v4  }
0x36: {  	v4 =	vperm.xlane v3, v0;
	_ =	sdelay $0x1  }
0x37: {  	v3 =	vperm.xlane v3, v2;
	v4 =	vadd.s32 v1, v4;
	_ =	sdelay $0x1  }
0x38: {  	v3 =	vadd.s32 v1, v3;
	_ =	sdelay $0x2  }
0x39: {  	[tilespmem:s14], [sflag:$0x1] =	stream.indirect_vreg.gather [hbm4b:s3+s2], $0x80, v4, vm0, $0xb8;
	[tilespmem:$0x8080] =	vst v63  }
0x3a: {  	_ = 	snop  }
0x3b: {  	[tilespmem:s15], [sflag:$0x1] =	stream.indirect_vreg.gather [hbm4b:s3+s2], $0x80, v3, vm0, $0xb8;
	[tilespmem:$0x8080] =	vst v63  }
0x3c: {  	v3 =	vld [tilespmem:$0x40];
	_ =	sdelay $0x4  }
0x3d: {  	v60 =	vshll.u32 v3, $0x1  }
0x3e: {  	v3 =	vand.u32 $0x7, v3;
	v4 =	vand.u32 $0xFFFFFFF0, v60  }
0x3f: {  	v3 =	vor.u32 v3, v4  }
0x40: {  	v4 =	vperm.xlane v3, v0;
	_ =	sdelay $0x1  }
0x41: {  	v3 =	vperm.xlane v3, v2;
	v4 =	vadd.s32 v1, v4;
	_ =	sdelay $0x1  }
0x42: {  	v3 =	vadd.s32 v1, v3;
	_ =	sdelay $0x2  }
0x43: {  	[tilespmem:s16], [sflag:$0x1] =	stream.indirect_vreg.gather [hbm4b:s3+s2], $0x80, v4, vm0, $0xb8;
	[tilespmem:$0x8080] =	vst v63  }
0x44: {  	_ = 	snop  }
0x45: {  	[tilespmem:s17], [sflag:$0x1] =	stream.indirect_vreg.gather [hbm4b:s3+s2], $0x80, v3, vm0, $0xb8;
	[tilespmem:$0x8080] =	vst v63  }
0x46: {  	v3 =	vld [tilespmem:$0x50];
	_ =	sdelay $0x4  }
0x47: {  	v61 =	vshll.u32 v3, $0x1  }
0x48: {  	v3 =	vand.u32 $0x7, v3;
	v4 =	vand.u32 $0xFFFFFFF0, v61  }
0x49: {  	v3 =	vor.u32 v3, v4  }
0x4a: {  	v4 =	vperm.xlane v3, v0;
	_ =	sdelay $0x1  }
0x4b: {  	v3 =	vperm.xlane v3, v2;
	v4 =	vadd.s32 v1, v4;
	_ =	sdelay $0x1  }
0x4c: {  	v3 =	vadd.s32 v1, v3;
	_ =	sdelay $0x2  }
0x4d: {  	[tilespmem:s18], [sflag:$0x1] =	stream.indirect_vreg.gather [hbm4b:s3+s2], $0x80, v4, vm0, $0xb8;
	[tilespmem:$0x8080] =	vst v63  }
0x4e: {  	_ = 	snop  }
0x4f: {  	[tilespmem:s19], [sflag:$0x1] =	stream.indirect_vreg.gather [hbm4b:s3+s2], $0x80, v3, vm0, $0xb8;
	[tilespmem:$0x8080] =	vst v63  }
0x50: {  	v3 =	vld [tilespmem:$0x60];
	_ =	sdelay $0x4  }
0x51: {  	v62 =	vshll.u32 v3, $0x1  }
0x52: {  	v3 =	vand.u32 $0x7, v3;
	v4 =	vand.u32 $0xFFFFFFF0, v62  }
0x53: {  	v3 =	vor.u32 v3, v4  }
0x54: {  	v4 =	vperm.xlane v3, v0;
	_ =	sdelay $0x1  }
0x55: {  	v3 =	vperm.xlane v3, v2;
	v4 =	vadd.s32 v1, v4;
	_ =	sdelay $0x1  }
0x56: {  	v3 =	vadd.s32 v1, v3;
	_ =	sdelay $0x2  }
0x57: {  	[tilespmem:s20], [sflag:$0x1] =	stream.indirect_vreg.gather [hbm4b:s3+s2], $0x80, v4, vm0, $0xb8;
	[tilespmem:$0x8080] =	vst v63  }
0x58: {  	_ = 	snop  }
0x59: {  	[tilespmem:s21], [sflag:$0x1] =	stream.indirect_vreg.gather [hbm4b:s3+s2], $0x80, v3, vm0, $0xb8;
	[tilespmem:$0x8080] =	vst v63  }
0x5a: {  	v3 =	vld [tilespmem:$0x70];
	_ =	sdelay $0x4  }
0x5b: {  	v63 =	vshll.u32 v3, $0x1  }
0x5c: {  	v3 =	vand.u32 $0x7, v3;
	v4 =	vand.u32 $0xFFFFFFF0, v63  }
0x5d: {  	v3 =	vor.u32 v3, v4  }
0x5e: {  	v4 =	vperm.xlane v3, v0;
	_ =	sdelay $0x1  }
0x5f: {  	v3 =	vperm.xlane v3, v2;
	v4 =	vadd.s32 v1, v4;
	_ =	sdelay $0x1  }
0x60: {  	v3 =	vadd.s32 v1, v3;
	_ =	sdelay $0x2  }
0x61: {  	[tilespmem:s22], [sflag:$0x1] =	stream.indirect_vreg.gather [hbm4b:s3+s2], $0x80, v4, vm0, $0xb8;
	[tilespmem:$0x8080] =	vst v63  }
0x62: {  	_ = 	snop  }
0x63: {  	[tilespmem:s23], [sflag:$0x1] =	stream.indirect_vreg.gather [hbm4b:s3+s2], $0x80, v3, vm0, $0xb8;
	[tilespmem:$0x8080] =	vst v63  }
0x64: {  	_ =	swait.ge [sflag:s24], $0x8000  }
0x65: {  	p0 =	sne.s32 s6, $0x1;
	[sflag:s24] =	ssyncset.done $0x0  }
.Ltmp0:
0x66: {  	[sflag:s24] =	ssyncadd.s32 $0xFFFF8000;
	(pc) =	sbr.rel @p0 .LBB2_1-.Ltmp0, $4  }
0x67: {  	[hbm4b:s5+s2] =	stream.linear.scatter [tilespmem:s8], [sflag:$0x2], $0x8000, $0x38;
	[tilespmem:$0x8080] =	vst v63  }
0x68: {  	_ =	swait.ge [sflag:s7], $0x8000  }
0x69: {  	[sflag:s7] =	ssyncset.done $0x0  }
0x6a: {  	s6 =	sadd.s32 $0xFFFFFFFF, s6;
	[sflag:s7] =	ssyncadd.s32 $0xFFFF8000  }
0x6b: {  	_ =	sfence.sel $0x180000  }
0x6c: {  	[bflag:$0x0] =	sbarrier.arrive $0xFFFF  }
0x6d: {  	p0 =	sne.s32 s1, $0x0;
	_ =	strace $0x9000004A  }
0x6e: {  	s0 =	sadd.s32 @!p0 $0x100000, s0;
	[bflag:$0x2] =	sbarrier.arrive $0xFFFF  }
0x6f: {  	[sflag:s0] =	ssyncadd.tile.s32 @!p0 $0x1;
	_ =	shalt  }
.Lfunc_end2:
_tile_overlayer_lowered:
.L_overlay_start_2:
0x70: {  	(tag) =	ssettag $0x2  }
0x71: {  	s0 =	rddreg [dreg:$0x0];
	s2 =	stileid.u32  }
0x72: {  	s1 =	rddreg [dreg:$0x1];
	p0 =	sne.s32 s2, $0x0  }
0x73: {  	s3 =	rddreg [dreg:$0x2];
	[bflag:$0x3] =	sbarrier.arrive $0xFFFF;
	s2 =	simm.s32 @!p0 $0x1C02  }
0x74: {  	[timem:s3], [sflag:s2] =	dma.local @!p0 [hbm:s0], s1  }
0x75: {  	s0 =	simm.s32 @!p0 $0x2  }
0x76: {  	_ =	swait.ge @!p0 [sflag:s0], s1  }
0x77: {  	s1 =	ssub.s32 @!p0 $0x0, s1;
	[sflag:s0] =	ssyncset.done @!p0 $0x0  }
0x78: {  	[sflag:s0] =	ssyncadd.s32 @!p0 s1  }
0x79: {  	[bflag:$0x3] =	sbarrier.arrive $0xFFFF  }
0x7a: {  	_ =	shalt  }

</sc_bundles>
